<compile_context>
chip_gen: v7x
topology: tpu7x:2x2x1
jax: 0.10.2.dev20260603
libtpu: 0.0.44.dev20260713+nightly
codegen_flags: <defaults>
</compile_context>

<pallas_src>
import functools

import jax
import jax.numpy as jnp
from jax import lax
from jax.experimental import pallas as pl
from jax.experimental.pallas import tpu as pltpu
from jax.experimental.pallas import tpu_sc as plsc

NC = 2
NS = 16
L = 16
NW = NC * NS
NSLOT = 4


def _matmul_body(x_ref, w_ref, o_ref):
    o_ref[...] = jnp.dot(x_ref[...], w_ref[...],
                         preferred_element_type=jnp.float32)


def _linear(x, W):
    n, d_in = x.shape
    d_out = W.shape[1]
    blk = 1000
    return pl.pallas_call(
        _matmul_body,
        grid=(n // blk,),
        in_specs=[
            pl.BlockSpec((blk, d_in), lambda i: (i, 0)),
            pl.BlockSpec((d_in, d_out), lambda i: (0, 0)),
        ],
        out_specs=pl.BlockSpec((blk, d_out), lambda i: (i, 0)),
        out_shape=jax.ShapeDtypeStruct((n, d_out), jnp.float32),
    )(x, W)


def _make_scatter(n, e, k):
    nb = e // k
    assert nb % NSLOT == 0
    mesh = plsc.VectorSubcoreMesh(core_axis_name="c", subcore_axis_name="s")

    @functools.partial(
        pl.kernel,
        out_type=jax.ShapeDtypeStruct((NW, n * 8), jnp.float32),
        mesh=mesh,
        compiler_params=pltpu.CompilerParams(needs_layout_passes=False,
                                             use_tc_tiling_on_sc=False),
        scratch_types=[
            pltpu.VMEM((n * 8,), jnp.float32),
            pltpu.VMEM((NSLOT, 3, k), jnp.int32),
            pltpu.VMEM((2, k, 8), jnp.float32),
            [pltpu.SemaphoreType.DMA] * NSLOT,
            [pltpu.SemaphoreType.DMA] * 2,
        ],
    )
    def scatter(h16_hbm, edges_hbm, outcm_hbm,
                acc, ebuf, rows, ssem, gsem):
        c = lax.axis_index("c")
        s = lax.axis_index("s")
        iota = lax.iota(jnp.int32, L)
        lo8 = iota & 7
        hi_sel = (iota >= 8).astype(jnp.int32)
        dnums = lax.GatherDimensionNumbers(
            offset_dims=(), collapsed_slice_dims=(0,), start_index_map=(0,))

        @plsc.parallel_loop(0, n * 8 // L, unroll=8)
        def zero(i):
            acc[pl.ds(i * L, L)] = jnp.zeros((L,), jnp.float32)

        def issue_small(b, slot):
            pltpu.async_copy(edges_hbm.at[:, pl.ds(b * k, k)],
                             ebuf.at[slot], ssem[slot])

        def wait_small(b, slot):
            pltpu.make_async_copy(edges_hbm.at[:, pl.ds(b * k, k)],
                                  ebuf.at[slot], ssem[slot]).wait()

        def prep_gather(slot, p):
            @plsc.parallel_loop(0, k // L, unroll=4)
            def gidx(g):
                sl = pl.ds(g * L, L)
                ebuf[slot, 1, sl] = ebuf[slot, 1, sl] * NW + (s * NC + c)
            pltpu.async_copy(h16_hbm.at[ebuf.at[slot, 1]], rows.at[p],
                             gsem[p])

        def wait_gather(slot, p):
            pltpu.make_async_copy(h16_hbm.at[ebuf.at[slot, 1]], rows.at[p],
                                  gsem[p]).wait()

        def compute(slot, p):
            @plsc.parallel_loop(0, k // L, unroll=2)
            def grp(g):
                sl = pl.ds(g * L, L)
                dv8 = ebuf[slot, 0, sl] * 8
                wvv = plsc.bitcast(ebuf[slot, 2, sl], jnp.float32)

                @plsc.parallel_loop(0, L // 2, unroll=L // 2)
                def pair(q):
                    psel = 2 * q + hi_sel
                    wbc = lax.gather(
                        wvv, psel[:, None], dimension_numbers=dnums,
                        slice_sizes=(1,),
                        mode=lax.GatherScatterMode.PROMISE_IN_BOUNDS)
                    dbc = lax.gather(
                        dv8, psel[:, None], dimension_numbers=dnums,
                        slice_sizes=(1,),
                        mode=lax.GatherScatterMode.PROMISE_IN_BOUNDS)
                    val = plsc.load_gather(
                        rows.at[p], [g * L + psel, lo8])
                    plsc.addupdate_scatter(acc, [dbc + lo8], val * wbc)

        issue_small(0, 0)
        issue_small(1, 1)
        wait_small(0, 0)
        prep_gather(0, 0)

        def quad(bi, _):
            for u in range(NSLOT):
                b = bi * NSLOT + u
                if u == NSLOT - 1:
                    @pl.when(b + 1 < nb)
                    def _():
                        wait_small(b + 1, 0)
                        prep_gather(0, (u + 1) % 2)
                else:
                    wait_small(b + 1, u + 1)
                    prep_gather(u + 1, (u + 1) % 2)
                wait_gather(u, u % 2)
                if u >= NSLOT - 2:
                    @pl.when(b + 2 < nb)
                    def _():
                        issue_small(b + 2, (u + 2) % NSLOT)
                else:
                    issue_small(b + 2, u + 2)
                compute(u, u % 2)
            return 0

        lax.fori_loop(0, nb // NSLOT, quad, 0)
        pltpu.sync_copy(acc, outcm_hbm.at[s * NC + c])

    return scatter


def kernel(x, edge_index, edge_weight, W):
    n, _ = x.shape
    d = W.shape[1]
    e = edge_weight.shape[0]
    h = _linear(x, W)
    h16 = h.reshape(n * (d // 8), 8)
    ei = edge_index.astype(jnp.int32)
    edges = jnp.concatenate(
        [ei, jax.lax.bitcast_convert_type(edge_weight, jnp.int32)[None]],
        axis=0)
    outcm = _make_scatter(n, e, 800)(h16, edges)
    out = outcm.reshape(NS, NC, n, 8).transpose(2, 0, 1, 3).reshape(n, d)
    return out

# --- scband reference (transcript-rebuilt; emitter-appended) ---
"""Pipeline reference for scband-gcnlayer-21010980012353 (READ-ONLY COPY).

The authoritative reference and input builder live on the scoring server;
editing this copy changes nothing except your own understanding.
"""

import jax, jax.numpy as jnp
import numpy as np

N = 10000
E = 160000
D_IN = 256
D_OUT = 256

def setup_inputs(seed: int = 0) -> dict:
    key = jax.random.key(seed)
    k1, k2, k3, k4 = jax.random.split(key, 4)
    x = jax.random.normal(k1, (N, D_IN), dtype=jnp.float32)
    edge_index = jax.random.randint(k2, (2, E), 0, N, dtype=jnp.int64)
    edge_weight = jax.random.uniform(k3, (E,), dtype=jnp.float32)
    # Linear weight, no bias. Stored as [D_IN, D_OUT] so h = x @ W.
    W = jax.random.normal(k4, (D_IN, D_OUT), dtype=jnp.float32) * (1.0 / np.sqrt(D_IN))
    return {"x": x, "edge_index": edge_index, "edge_weight": edge_weight, "W": W}

def reference(x, edge_index, edge_weight, W):
    # x = self.linear(x)
    h = x @ W
    # out = torch.sparse.mm(adj, h): out[row] += adj_val * h[col]
    # adj COO: edge_index[0] = row (dst), edge_index[1] = col (src)
    dst = edge_index[0]
    src = edge_index[1]
    msgs = h[src] * edge_weight[:, None]
    out = jax.ops.segment_sum(msgs, dst, num_segments=N)
    return out

if __name__ == "__main__":
    import jax
    _d = setup_inputs()
    print(jax.jit(kernel)(*tuple(_d.values())))

</pallas_src>

<mosaic_0001>
#map = affine_map<(d0, d1) -> (0, 0)>
module attributes {stable_mosaic.version = 14 : i64} {
  func.func @scatter(%arg0: i32, %arg1: i32, %arg2: memref<320000x8xf32, #tpu.memory_space<hbm>>, %arg3: memref<3x160000xi32, #tpu.memory_space<hbm>>, %arg4: memref<32x80000xf32, #tpu.memory_space<hbm>>, %arg5: memref<80000xf32, #tpu.memory_space<vmem>>, %arg6: memref<4x3x800xi32, #tpu.memory_space<vmem>>, %arg7: memref<2x800x8xf32, #tpu.memory_space<vmem>>, %arg8: memref<!tpu.dma_semaphore, #tpu.memory_space<semaphore_mem>>, %arg9: memref<!tpu.dma_semaphore, #tpu.memory_space<semaphore_mem>>, %arg10: memref<!tpu.dma_semaphore, #tpu.memory_space<semaphore_mem>>, %arg11: memref<!tpu.dma_semaphore, #tpu.memory_space<semaphore_mem>>, %arg12: memref<!tpu.dma_semaphore, #tpu.memory_space<semaphore_mem>>, %arg13: memref<!tpu.dma_semaphore, #tpu.memory_space<semaphore_mem>>) attributes {dimension_semantics = [#tpu.dimension_semantics<core_parallel>, #tpu.dimension_semantics<subcore_parallel>], iteration_bounds = array<i64: 2, 16>, scalar_prefetch = 0 : i64, scratch_operands = 9 : i64, tpu.core_type = #tpu.core_type<sc_vector_subcore>, window_params = [{transform_indices = #map}, {transform_indices = #map}, {transform_indices = #map}]} {
    %iota3A = tpu.iota {dimensions = array<i32: 0>} : vector<16xi32>
    %and3A = arith.constant 7 : i32
    %and3A_0 = vector.broadcast %and3A : i32 to vector<16xi32>
    %and3A_1 = arith.andi %iota3A, %and3A_0 : vector<16xi32>
    %ge3A = arith.constant 8 : i32
    %ge3A_2 = vector.broadcast %ge3A : i32 to vector<16xi32>
    %ge3A_3 = arith.cmpi sge, %iota3A, %ge3A_2 : vector<16xi32>
    %convert_element_type3A = arith.extui %ge3A_3 : vector<16xi1> to vector<16xi32>
    %parallel_loop3A = arith.constant 0 : i32
    %parallel_loop3A_4 = arith.constant 5000 : i32
    %parallel_loop3A_5 = arith.constant 1 : i32
    scf.for %parallel_loop3A_72 = %parallel_loop3A to %parallel_loop3A_4 step %parallel_loop3A_5  : i32 {
      %parallel_loop3A_73 = arith.constant 0.000000e+00 : f32
      %parallel_loop3A_74 = vector.broadcast %parallel_loop3A_73 : f32 to vector<16xf32>
      %parallel_loop3A_75 = arith.constant 16 : i32
      %parallel_loop3A_76 = arith.muli %parallel_loop3A_72, %parallel_loop3A_75 : i32
      %parallel_loop3A_77 = arith.index_cast %parallel_loop3A_76 : i32 to index
      %parallel_loop3A_78 = tpu.vector_load %arg5[%parallel_loop3A_77] {strides = array<i32>} : memref<80000xf32, #tpu.memory_space<vmem>>, vector<16xf32>,
      tpu.vector_store %arg5[%parallel_loop3A_77], %parallel_loop3A_74 {strides = array<i32>} : memref<80000xf32, #tpu.memory_space<vmem>>, vector<16xf32>,
    } {sc.loop_unroll_factor = 8 : i64, sc.parallel_access}
    %dma_start3A = arith.constant 0 : i32
    %dma_start3A_6 = arith.constant 0 : i32
    %dma_start3A_7 = arith.constant 0 : i32
    %dma_start3A_8 = tpu.memref_slice %arg6[%dma_start3A, %dma_start3A_6, %dma_start3A_7] : memref<4x3x800xi32, #tpu.memory_space<vmem>> -> memref<1x3x800xi32, #tpu.memory_space<vmem>>
    %dma_start3A_9 = tpu.memref_squeeze %dma_start3A_8 : memref<1x3x800xi32, #tpu.memory_space<vmem>> -> memref<3x800xi32, #tpu.memory_space<vmem>>
    %dma_start3A_10 = arith.constant 0 : i32
    %dma_start3A_11 = arith.constant 0 : i32
    %dma_start3A_12 = tpu.memref_slice %arg3[%dma_start3A_10, %dma_start3A_11] : memref<3x160000xi32, #tpu.memory_space<hbm>> -> memref<3x800xi32, #tpu.memory_space<hbm>>
    %dma_start3A_13 = arith.constant 0 : i32
    %dma_start3A_14 = arith.constant 0 : i32
    %dma_start3A_15 = tpu.memref_slice %arg6[%dma_start3A, %dma_start3A_13, %dma_start3A_14] : memref<4x3x800xi32, #tpu.memory_space<vmem>> -> memref<1x3x800xi32, #tpu.memory_space<vmem>>
    %dma_start3A_16 = tpu.memref_squeeze %dma_start3A_15 : memref<1x3x800xi32, #tpu.memory_space<vmem>> -> memref<3x800xi32, #tpu.memory_space<vmem>>
    %dma_start3A_17 = arith.constant 0 : i32
    %dma_start3A_18 = arith.constant 0 : i32
    %dma_start3A_19 = tpu.memref_slice %arg3[%dma_start3A_17, %dma_start3A_18] : memref<3x160000xi32, #tpu.memory_space<hbm>> -> memref<3x800xi32, #tpu.memory_space<hbm>>
    tpu.enqueue_dma source(%dma_start3A_19 : memref<3x800xi32, #tpu.memory_space<hbm>>) target(%dma_start3A_16 : memref<3x800xi32, #tpu.memory_space<vmem>>) target_semaphore(%arg8 : memref<!tpu.dma_semaphore, #tpu.memory_space<semaphore_mem>>)
    %dma_start3A_20 = arith.constant 1 : i32
    %dma_start3A_21 = arith.constant 0 : i32
    %dma_start3A_22 = arith.constant 0 : i32
    %dma_start3A_23 = tpu.memref_slice %arg6[%dma_start3A_20, %dma_start3A_21, %dma_start3A_22] : memref<4x3x800xi32, #tpu.memory_space<vmem>> -> memref<1x3x800xi32, #tpu.memory_space<vmem>>
    %dma_start3A_24 = tpu.memref_squeeze %dma_start3A_23 : memref<1x3x800xi32, #tpu.memory_space<vmem>> -> memref<3x800xi32, #tpu.memory_space<vmem>>
    %dma_start3A_25 = arith.constant 0 : i32
    %dma_start3A_26 = arith.constant 800 : i32
    %dma_start3A_27 = tpu.memref_slice %arg3[%dma_start3A_25, %dma_start3A_26] : memref<3x160000xi32, #tpu.memory_space<hbm>> -> memref<3x800xi32, #tpu.memory_space<hbm>>
    %dma_start3A_28 = arith.constant 0 : i32
    %dma_start3A_29 = arith.constant 0 : i32
    %dma_start3A_30 = tpu.memref_slice %arg6[%dma_start3A_20, %dma_start3A_28, %dma_start3A_29] : memref<4x3x800xi32, #tpu.memory_space<vmem>> -> memref<1x3x800xi32, #tpu.memory_space<vmem>>
    %dma_start3A_31 = tpu.memref_squeeze %dma_start3A_30 : memref<1x3x800xi32, #tpu.memory_space<vmem>> -> memref<3x800xi32, #tpu.memory_space<vmem>>
    %dma_start3A_32 = arith.constant 0 : i32
    %dma_start3A_33 = arith.constant 800 : i32
    %dma_start3A_34 = tpu.memref_slice %arg3[%dma_start3A_32, %dma_start3A_33] : memref<3x160000xi32, #tpu.memory_space<hbm>> -> memref<3x800xi32, #tpu.memory_space<hbm>>
    tpu.enqueue_dma source(%dma_start3A_34 : memref<3x800xi32, #tpu.memory_space<hbm>>) target(%dma_start3A_31 : memref<3x800xi32, #tpu.memory_space<vmem>>) target_semaphore(%arg9 : memref<!tpu.dma_semaphore, #tpu.memory_space<semaphore_mem>>)
    %dma_wait3A = arith.constant 0 : i32
    %dma_wait3A_35 = arith.constant 0 : i32
    %dma_wait3A_36 = arith.constant 0 : i32
    %dma_wait3A_37 = tpu.memref_slice %arg6[%dma_wait3A, %dma_wait3A_35, %dma_wait3A_36] : memref<4x3x800xi32, #tpu.memory_space<vmem>> -> memref<1x3x800xi32, #tpu.memory_space<vmem>>
    %dma_wait3A_38 = tpu.memref_squeeze %dma_wait3A_37 : memref<1x3x800xi32, #tpu.memory_space<vmem>> -> memref<3x800xi32, #tpu.memory_space<vmem>>
    %dma_wait3A_39 = arith.constant 0 : i32
    %dma_wait3A_40 = arith.constant 0 : i32
    %dma_wait3A_41 = tpu.memref_slice %arg3[%dma_wait3A_39, %dma_wait3A_40] : memref<3x160000xi32, #tpu.memory_space<hbm>> -> memref<3x800xi32, #tpu.memory_space<hbm>>
    %dma_wait3A_42 = arith.constant 0 : i32
    %dma_wait3A_43 = arith.constant 0 : i32
    %dma_wait3A_44 = tpu.memref_slice %arg6[%dma_wait3A, %dma_wait3A_42, %dma_wait3A_43] : memref<4x3x800xi32, #tpu.memory_space<vmem>> -> memref<1x3x800xi32, #tpu.memory_space<vmem>>
    %dma_wait3A_45 = tpu.memref_squeeze %dma_wait3A_44 : memref<1x3x800xi32, #tpu.memory_space<vmem>> -> memref<3x800xi32, #tpu.memory_space<vmem>>
    %dma_wait3A_46 = arith.constant 0 : i32
    %dma_wait3A_47 = arith.constant 0 : i32
    %dma_wait3A_48 = tpu.memref_slice %arg3[%dma_wait3A_46, %dma_wait3A_47] : memref<3x160000xi32, #tpu.memory_space<hbm>> -> memref<3x800xi32, #tpu.memory_space<hbm>>
    tpu.wait_dma2 semaphore(%arg8 : memref<!tpu.dma_semaphore, #tpu.memory_space<semaphore_mem>>) src(%dma_wait3A_48 : memref<3x800xi32, #tpu.memory_space<hbm>>) dst(%dma_wait3A_45 : memref<3x800xi32, #tpu.memory_space<vmem>>)
    %parallel_loop3A_49 = arith.constant 0 : i32
    %parallel_loop3A_50 = arith.constant 50 : i32
    %parallel_loop3A_51 = arith.constant 1 : i32
    scf.for %parallel_loop3A_72 = %parallel_loop3A_49 to %parallel_loop3A_50 step %parallel_loop3A_51  : i32 {
      %parallel_loop3A_73 = arith.constant 16 : i32
      %parallel_loop3A_74 = arith.muli %parallel_loop3A_72, %parallel_loop3A_73 : i32
      %parallel_loop3A_75 = arith.constant 0 : i32
      %parallel_loop3A_76 = arith.constant 1 : i32
      %parallel_loop3A_77 = arith.index_cast %parallel_loop3A_75 : i32 to index
      %parallel_loop3A_78 = arith.index_cast %parallel_loop3A_76 : i32 to index
      %parallel_loop3A_79 = arith.index_cast %parallel_loop3A_74 : i32 to index
      %parallel_loop3A_80 = tpu.vector_load %arg6[%parallel_loop3A_77, %parallel_loop3A_78, %parallel_loop3A_79] {strides = array<i32>} : memref<4x3x800xi32, #tpu.memory_space<vmem>>, vector<16xi32>,
      %parallel_loop3A_81 = arith.constant 32 : i32
      %parallel_loop3A_82 = vector.broadcast %parallel_loop3A_81 : i32 to vector<16xi32>
      %parallel_loop3A_83 = arith.muli %parallel_loop3A_80, %parallel_loop3A_82 : vector<16xi32>
      %parallel_loop3A_84 = arith.constant 2 : i32
      %parallel_loop3A_85 = arith.muli %arg1, %parallel_loop3A_84 : i32
      %parallel_loop3A_86 = arith.addi %parallel_loop3A_85, %arg0 : i32
      %parallel_loop3A_87 = vector.broadcast %parallel_loop3A_86 : i32 to vector<16xi32>
      %parallel_loop3A_88 = arith.addi %parallel_loop3A_83, %parallel_loop3A_87 : vector<16xi32>
      %parallel_loop3A_89 = arith.constant 0 : i32
      %parallel_loop3A_90 = arith.constant 1 : i32
      %parallel_loop3A_91 = arith.index_cast %parallel_loop3A_89 : i32 to index
      %parallel_loop3A_92 = arith.index_cast %parallel_loop3A_90 : i32 to index
      %parallel_loop3A_93 = arith.index_cast %parallel_loop3A_74 : i32 to index
      %parallel_loop3A_94 = tpu.vector_load %arg6[%parallel_loop3A_91, %parallel_loop3A_92, %parallel_loop3A_93] {strides = array<i32>} : memref<4x3x800xi32, #tpu.memory_space<vmem>>, vector<16xi32>,
      tpu.vector_store %arg6[%parallel_loop3A_91, %parallel_loop3A_92, %parallel_loop3A_93], %parallel_loop3A_88 {strides = array<i32>} : memref<4x3x800xi32, #tpu.memory_space<vmem>>, vector<16xi32>,
    } {sc.loop_unroll_factor = 4 : i64, sc.parallel_access}
    %dma_start3A_52 = arith.constant 0 : i32
    %dma_start3A_53 = arith.constant 1 : i32
    %dma_start3A_54 = arith.constant 0 : i32
    %dma_start3A_55 = arith.constant 0 : i32
    %dma_start3A_56 = arith.constant 0 : i32
    %dma_start3A_57 = tpu.memref_slice %arg7[%dma_start3A_54, %dma_start3A_55, %dma_start3A_56] : memref<2x800x8xf32, #tpu.memory_space<vmem>> -> memref<1x800x8xf32, #tpu.memory_space<vmem>>
    %dma_start3A_58 = tpu.memref_squeeze %dma_start3A_57 : memref<1x800x8xf32, #tpu.memory_space<vmem>> -> memref<800x8xf32, #tpu.memory_space<vmem>>
    %dma_start3A_59 = arith.constant 0 : i32
    %dma_start3A_60 = tpu.memref_slice %arg6[%dma_start3A_52, %dma_start3A_53, %dma_start3A_59] : memref<4x3x800xi32, #tpu.memory_space<vmem>> -> memref<1x1x800xi32, #tpu.memory_space<vmem>>
    %dma_start3A_61 = tpu.memref_squeeze %dma_start3A_60 : memref<1x1x800xi32, #tpu.memory_space<vmem>> -> memref<800xi32, #tpu.memory_space<vmem>>
    %dma_start3A_62 = arith.constant 0 : i32
    %dma_start3A_63 = arith.constant 0 : i32
    %dma_start3A_64 = tpu.memref_slice %arg2[%dma_start3A_62, %dma_start3A_63] : memref<320000x8xf32, #tpu.memory_space<hbm>> -> memref<320000x8xf32, #tpu.memory_space<hbm>>
    tpu.enqueue_indirect_dma source(%dma_start3A_64 : memref<320000x8xf32, #tpu.memory_space<hbm>>) target(%dma_start3A_58 : memref<800x8xf32, #tpu.memory_space<vmem>>) offsets(%dma_start3A_61 : memref<800xi32, #tpu.memory_space<vmem>>) semaphore(%arg12 : memref<!tpu.dma_semaphore, #tpu.memory_space<semaphore_mem>>)
    %scan3A = arith.constant 0 : i32
    %scan3A_65 = arith.constant 0 : i32
    %scan3A_66 = arith.constant 50 : i32
    %scan3A_67 = arith.addi %scan3A_65, %scan3A_66 : i32
    %scan3A_68 = arith.constant 1 : i32
    %scan3A_69 = scf.for %scan3A_72 = %scan3A_65 to %scan3A_67 step %scan3A_68 iter_args(%scan3A_73 = %scan3A) -> (i32)  : i32 {
      %mul3A_74 = arith.constant 4 : i32
      %mul3A_75 = arith.muli %scan3A_72, %mul3A_74 : i32
      %add3A_76 = arith.constant 0 : i32
      %add3A_77 = arith.addi %mul3A_75, %add3A_76 : i32
      %add3A_78 = arith.constant 1 : i32
      %add3A_79 = arith.addi %add3A_77, %add3A_78 : i32
      %mul3A_80 = arith.constant 800 : i32
      %mul3A_81 = arith.muli %add3A_79, %mul3A_80 : i32
      %dma_wait3A_82 = arith.constant 1 : i32
      %dma_wait3A_83 = arith.constant 0 : i32
      %dma_wait3A_84 = arith.constant 0 : i32
      %dma_wait3A_85 = tpu.memref_slice %arg6[%dma_wait3A_82, %dma_wait3A_83, %dma_wait3A_84] : memref<4x3x800xi32, #tpu.memory_space<vmem>> -> memref<1x3x800xi32, #tpu.memory_space<vmem>>
      %dma_wait3A_86 = tpu.memref_squeeze %dma_wait3A_85 : memref<1x3x800xi32, #tpu.memory_space<vmem>> -> memref<3x800xi32, #tpu.memory_space<vmem>>
      %dma_wait3A_87 = arith.constant 0 : i32
      %dma_wait3A_88 = tpu.memref_slice %arg3[%dma_wait3A_87, %mul3A_81] : memref<3x160000xi32, #tpu.memory_space<hbm>> -> memref<3x800xi32, #tpu.memory_space<hbm>>
      %dma_wait3A_89 = arith.constant 0 : i32
      %dma_wait3A_90 = arith.constant 0 : i32
      %dma_wait3A_91 = tpu.memref_slice %arg6[%dma_wait3A_82, %dma_wait3A_89, %dma_wait3A_90] : memref<4x3x800xi32, #tpu.memory_space<vmem>> -> memref<1x3x800xi32, #tpu.memory_space<vmem>>
      %dma_wait3A_92 = tpu.memref_squeeze %dma_wait3A_91 : memref<1x3x800xi32, #tpu.memory_space<vmem>> -> memref<3x800xi32, #tpu.memory_space<vmem>>
      %dma_wait3A_93 = arith.constant 0 : i32
      %dma_wait3A_94 = tpu.memref_slice %arg3[%dma_wait3A_93, %mul3A_81] : memref<3x160000xi32, #tpu.memory_space<hbm>> -> memref<3x800xi32, #tpu.memory_space<hbm>>
      tpu.wait_dma2 semaphore(%arg9 : memref<!tpu.dma_semaphore, #tpu.memory_space<semaphore_mem>>) src(%dma_wait3A_94 : memref<3x800xi32, #tpu.memory_space<hbm>>) dst(%dma_wait3A_92 : memref<3x800xi32, #tpu.memory_space<vmem>>)
      %parallel_loop3A_95 = arith.constant 0 : i32
      %parallel_loop3A_96 = arith.constant 50 : i32
      %parallel_loop3A_97 = arith.constant 1 : i32
      scf.for %parallel_loop3A_307 = %parallel_loop3A_95 to %parallel_loop3A_96 step %parallel_loop3A_97  : i32 {
        %parallel_loop3A_308 = arith.constant 16 : i32
        %parallel_loop3A_309 = arith.muli %parallel_loop3A_307, %parallel_loop3A_308 : i32
        %parallel_loop3A_310 = arith.constant 1 : i32
        %parallel_loop3A_311 = arith.constant 1 : i32
        %parallel_loop3A_312 = arith.index_cast %parallel_loop3A_310 : i32 to index
        %parallel_loop3A_313 = arith.index_cast %parallel_loop3A_311 : i32 to index
        %parallel_loop3A_314 = arith.index_cast %parallel_loop3A_309 : i32 to index
        %parallel_loop3A_315 = tpu.vector_load %arg6[%parallel_loop3A_312, %parallel_loop3A_313, %parallel_loop3A_314] {strides = array<i32>} : memref<4x3x800xi32, #tpu.memory_space<vmem>>, vector<16xi32>,
        %parallel_loop3A_316 = arith.constant 32 : i32
        %parallel_loop3A_317 = vector.broadcast %parallel_loop3A_316 : i32 to vector<16xi32>
        %parallel_loop3A_318 = arith.muli %parallel_loop3A_315, %parallel_loop3A_317 : vector<16xi32>
        %parallel_loop3A_319 = arith.constant 2 : i32
        %parallel_loop3A_320 = arith.muli %arg1, %parallel_loop3A_319 : i32
        %parallel_loop3A_321 = arith.addi %parallel_loop3A_320, %arg0 : i32
        %parallel_loop3A_322 = vector.broadcast %parallel_loop3A_321 : i32 to vector<16xi32>
        %parallel_loop3A_323 = arith.addi %parallel_loop3A_318, %parallel_loop3A_322 : vector<16xi32>
        %parallel_loop3A_324 = arith.constant 1 : i32
        %parallel_loop3A_325 = arith.constant 1 : i32
        %parallel_loop3A_326 = arith.index_cast %parallel_loop3A_324 : i32 to index
        %parallel_loop3A_327 = arith.index_cast %parallel_loop3A_325 : i32 to index
        %parallel_loop3A_328 = arith.index_cast %parallel_loop3A_309 : i32 to index
        %parallel_loop3A_329 = tpu.vector_load %arg6[%parallel_loop3A_326, %parallel_loop3A_327, %parallel_loop3A_328] {strides = array<i32>} : memref<4x3x800xi32, #tpu.memory_space<vmem>>, vector<16xi32>,
        tpu.vector_store %arg6[%parallel_loop3A_326, %parallel_loop3A_327, %parallel_loop3A_328], %parallel_loop3A_323 {strides = array<i32>} : memref<4x3x800xi32, #tpu.memory_space<vmem>>, vector<16xi32>,
      } {sc.loop_unroll_factor = 4 : i64, sc.parallel_access}
      %dma_start3A_98 = arith.constant 1 : i32
      %dma_start3A_99 = arith.constant 1 : i32
      %dma_start3A_100 = arith.constant 1 : i32
      %dma_start3A_101 = arith.constant 0 : i32
      %dma_start3A_102 = arith.constant 0 : i32
      %dma_start3A_103 = tpu.memref_slice %arg7[%dma_start3A_100, %dma_start3A_101, %dma_start3A_102] : memref<2x800x8xf32, #tpu.memory_space<vmem>> -> memref<1x800x8xf32, #tpu.memory_space<vmem>>
      %dma_start3A_104 = tpu.memref_squeeze %dma_start3A_103 : memref<1x800x8xf32, #tpu.memory_space<vmem>> -> memref<800x8xf32, #tpu.memory_space<vmem>>
      %dma_start3A_105 = arith.constant 0 : i32
      %dma_start3A_106 = tpu.memref_slice %arg6[%dma_start3A_98, %dma_start3A_99, %dma_start3A_105] : memref<4x3x800xi32, #tpu.memory_space<vmem>> -> memref<1x1x800xi32, #tpu.memory_space<vmem>>
      %dma_start3A_107 = tpu.memref_squeeze %dma_start3A_106 : memref<1x1x800xi32, #tpu.memory_space<vmem>> -> memref<800xi32, #tpu.memory_space<vmem>>
      %dma_start3A_108 = arith.constant 0 : i32
      %dma_start3A_109 = arith.constant 0 : i32
      %dma_start3A_110 = tpu.memref_slice %arg2[%dma_start3A_108, %dma_start3A_109] : memref<320000x8xf32, #tpu.memory_space<hbm>> -> memref<320000x8xf32, #tpu.memory_space<hbm>>
      tpu.enqueue_indirect_dma source(%dma_start3A_110 : memref<320000x8xf32, #tpu.memory_space<hbm>>) target(%dma_start3A_104 : memref<800x8xf32, #tpu.memory_space<vmem>>) offsets(%dma_start3A_107 : memref<800xi32, #tpu.memory_space<vmem>>) semaphore(%arg13 : memref<!tpu.dma_semaphore, #tpu.memory_space<semaphore_mem>>)
      %dma_wait3A_111 = arith.constant 0 : i32
      %dma_wait3A_112 = arith.constant 1 : i32
      %dma_wait3A_113 = arith.constant 0 : i32
      %dma_wait3A_114 = arith.constant 0 : i32
      %dma_wait3A_115 = arith.constant 0 : i32
      %dma_wait3A_116 = tpu.memref_slice %arg7[%dma_wait3A_113, %dma_wait3A_114, %dma_wait3A_115] : memref<2x800x8xf32, #tpu.memory_space<vmem>> -> memref<1x800x8xf32, #tpu.memory_space<vmem>>
      %dma_wait3A_117 = tpu.memref_squeeze %dma_wait3A_116 : memref<1x800x8xf32, #tpu.memory_space<vmem>> -> memref<800x8xf32, #tpu.memory_space<vmem>>
      %dma_wait3A_118 = arith.constant 0 : i32
      %dma_wait3A_119 = tpu.memref_slice %arg6[%dma_wait3A_111, %dma_wait3A_112, %dma_wait3A_118] : memref<4x3x800xi32, #tpu.memory_space<vmem>> -> memref<1x1x800xi32, #tpu.memory_space<vmem>>
      %dma_wait3A_120 = tpu.memref_squeeze %dma_wait3A_119 : memref<1x1x800xi32, #tpu.memory_space<vmem>> -> memref<800xi32, #tpu.memory_space<vmem>>
      %dma_wait3A_121 = arith.constant 0 : i32
      %dma_wait3A_122 = arith.constant 0 : i32
      %dma_wait3A_123 = tpu.memref_slice %arg2[%dma_wait3A_121, %dma_wait3A_122] : memref<320000x8xf32, #tpu.memory_space<hbm>> -> memref<320000x8xf32, #tpu.memory_space<hbm>>
      tpu.wait_indirect_dma semaphore(%arg12 : memref<!tpu.dma_semaphore, #tpu.memory_space<semaphore_mem>>) src(%dma_wait3A_123 : memref<320000x8xf32, #tpu.memory_space<hbm>>) dst(%dma_wait3A_117 : memref<800x8xf32, #tpu.memory_space<vmem>>)
      %add3A_124 = arith.constant 2 : i32
      %add3A_125 = arith.addi %add3A_77, %add3A_124 : i32
      %mul3A_126 = arith.constant 800 : i32
      %mul3A_127 = arith.muli %add3A_125, %mul3A_126 : i32
      %dma_start3A_128 = arith.constant 2 : i32
      %dma_start3A_129 = arith.constant 0 : i32
      %dma_start3A_130 = arith.constant 0 : i32
      %dma_start3A_131 = tpu.memref_slice %arg6[%dma_start3A_128, %dma_start3A_129, %dma_start3A_130] : memref<4x3x800xi32, #tpu.memory_space<vmem>> -> memref<1x3x800xi32, #tpu.memory_space<vmem>>
      %dma_start3A_132 = tpu.memref_squeeze %dma_start3A_131 : memref<1x3x800xi32, #tpu.memory_space<vmem>> -> memref<3x800xi32, #tpu.memory_space<vmem>>
      %dma_start3A_133 = arith.constant 0 : i32
      %dma_start3A_134 = tpu.memref_slice %arg3[%dma_start3A_133, %mul3A_127] : memref<3x160000xi32, #tpu.memory_space<hbm>> -> memref<3x800xi32, #tpu.memory_space<hbm>>
      %dma_start3A_135 = arith.constant 0 : i32
      %dma_start3A_136 = arith.constant 0 : i32
      %dma_start3A_137 = tpu.memref_slice %arg6[%dma_start3A_128, %dma_start3A_135, %dma_start3A_136] : memref<4x3x800xi32, #tpu.memory_space<vmem>> -> memref<1x3x800xi32, #tpu.memory_space<vmem>>
      %dma_start3A_138 = tpu.memref_squeeze %dma_start3A_137 : memref<1x3x800xi32, #tpu.memory_space<vmem>> -> memref<3x800xi32, #tpu.memory_space<vmem>>
      %dma_start3A_139 = arith.constant 0 : i32
      %dma_start3A_140 = tpu.memref_slice %arg3[%dma_start3A_139, %mul3A_127] : memref<3x160000xi32, #tpu.memory_space<hbm>> -> memref<3x800xi32, #tpu.memory_space<hbm>>
      tpu.enqueue_dma source(%dma_start3A_140 : memref<3x800xi32, #tpu.memory_space<hbm>>) target(%dma_start3A_138 : memref<3x800xi32, #tpu.memory_space<vmem>>) target_semaphore(%arg10 : memref<!tpu.dma_semaphore, #tpu.memory_space<semaphore_mem>>)
      %parallel_loop3A_141 = arith.constant 0 : i32
      %parallel_loop3A_142 = arith.constant 50 : i32
      %parallel_loop3A_143 = arith.constant 1 : i32
      scf.for %parallel_loop3A_307 = %parallel_loop3A_141 to %parallel_loop3A_142 step %parallel_loop3A_143  : i32 {
        %parallel_loop3A_308 = arith.constant 16 : i32
        %parallel_loop3A_309 = arith.muli %parallel_loop3A_307, %parallel_loop3A_308 : i32
        %parallel_loop3A_310 = arith.constant 0 : i32
        %parallel_loop3A_311 = arith.constant 0 : i32
        %parallel_loop3A_312 = arith.index_cast %parallel_loop3A_310 : i32 to index
        %parallel_loop3A_313 = arith.index_cast %parallel_loop3A_311 : i32 to index
        %parallel_loop3A_314 = arith.index_cast %parallel_loop3A_309 : i32 to index
        %parallel_loop3A_315 = tpu.vector_load %arg6[%parallel_loop3A_312, %parallel_loop3A_313, %parallel_loop3A_314] {strides = array<i32>} : memref<4x3x800xi32, #tpu.memory_space<vmem>>, vector<16xi32>,
        %parallel_loop3A_316 = arith.constant 8 : i32
        %parallel_loop3A_317 = vector.broadcast %parallel_loop3A_316 : i32 to vector<16xi32>
        %parallel_loop3A_318 = arith.muli %parallel_loop3A_315, %parallel_loop3A_317 : vector<16xi32>
        %parallel_loop3A_319 = arith.constant 0 : i32
        %parallel_loop3A_320 = arith.constant 2 : i32
        %parallel_loop3A_321 = arith.index_cast %parallel_loop3A_319 : i32 to index
        %parallel_loop3A_322 = arith.index_cast %parallel_loop3A_320 : i32 to index
        %parallel_loop3A_323 = arith.index_cast %parallel_loop3A_309 : i32 to index
        %parallel_loop3A_324 = tpu.vector_load %arg6[%parallel_loop3A_321, %parallel_loop3A_322, %parallel_loop3A_323] {strides = array<i32>} : memref<4x3x800xi32, #tpu.memory_space<vmem>>, vector<16xi32>,
        %parallel_loop3A_325 = vector.bitcast %parallel_loop3A_324 : vector<16xi32> to vector<16xf32>
        %parallel_loop3A_326 = arith.constant 0 : i32
        %parallel_loop3A_327 = arith.constant 8 : i32
        %parallel_loop3A_328 = arith.constant 1 : i32
        scf.for %parallel_loop3A_329 = %parallel_loop3A_326 to %parallel_loop3A_327 step %parallel_loop3A_328  : i32 {
          %parallel_loop3A_330 = arith.constant 2 : i32
          %parallel_loop3A_331 = arith.muli %parallel_loop3A_330, %parallel_loop3A_329 : i32
          %parallel_loop3A_332 = vector.broadcast %parallel_loop3A_331 : i32 to vector<16xi32>
          %parallel_loop3A_333 = arith.addi %parallel_loop3A_332, %convert_element_type3A : vector<16xi32>
          %parallel_loop3A_334 = vector.shape_cast %parallel_loop3A_333 : vector<16xi32> to vector<16x1xi32>
          %parallel_loop3A_335 = vector.shape_cast %parallel_loop3A_334 : vector<16x1xi32> to vector<16xi32>
          %parallel_loop3A_336 = tpu.dynamic_gather %parallel_loop3A_325[%parallel_loop3A_335] in [0] : vector<16xf32>, vector<16xi32> -> vector<16xf32>
          %parallel_loop3A_337 = vector.shape_cast %parallel_loop3A_333 : vector<16xi32> to vector<16x1xi32>
          %parallel_loop3A_338 = vector.shape_cast %parallel_loop3A_337 : vector<16x1xi32> to vector<16xi32>
          %parallel_loop3A_339 = tpu.dynamic_gather %parallel_loop3A_318[%parallel_loop3A_338] in [0] : vector<16xi32>, vector<16xi32> -> vector<16xi32>
          %parallel_loop3A_340 = arith.constant 16 : i32
          %parallel_loop3A_341 = arith.muli %parallel_loop3A_307, %parallel_loop3A_340 : i32
          %parallel_loop3A_342 = vector.broadcast %parallel_loop3A_341 : i32 to vector<16xi32>
          %parallel_loop3A_343 = arith.addi %parallel_loop3A_342, %parallel_loop3A_333 : vector<16xi32>
          %parallel_loop3A_344 = arith.constant 0 : i32
          %parallel_loop3A_345 = arith.constant 0 : i32
          %parallel_loop3A_346 = arith.constant 0 : i32
          %parallel_loop3A_347 = tpu.memref_slice %arg7[%parallel_loop3A_344, %parallel_loop3A_345, %parallel_loop3A_346] : memref<2x800x8xf32, #tpu.memory_space<vmem>> -> memref<1x800x8xf32, #tpu.memory_space<vmem>>
          %parallel_loop3A_348 = tpu.memref_squeeze %parallel_loop3A_347 : memref<1x800x8xf32, #tpu.memory_space<vmem>> -> memref<800x8xf32, #tpu.memory_space<vmem>>
          %parallel_loop3A_349 = tpu.vector_load_idx %parallel_loop3A_348[%parallel_loop3A_343, %and3A_1] : memref<800x8xf32, #tpu.memory_space<vmem>>[vector<16xi32>, vector<16xi32>], vector<16xf32>,
          %parallel_loop3A_350 = arith.addi %parallel_loop3A_339, %and3A_1 : vector<16xi32>
          %parallel_loop3A_351 = arith.mulf %parallel_loop3A_349, %parallel_loop3A_336 : vector<16xf32>
          tpu.vector_store_idx %arg5[%parallel_loop3A_350], %parallel_loop3A_351 {add = true} : memref<80000xf32, #tpu.memory_space<vmem>>[vector<16xi32>], vector<16xf32>,
        } {sc.loop_unroll_factor = 8 : i64, sc.parallel_access}
      } {sc.loop_unroll_factor = 2 : i64, sc.parallel_access}
      %mul3A_144 = arith.constant 4 : i32
      %mul3A_145 = arith.muli %scan3A_72, %mul3A_144 : i32
      %add3A_146 = arith.constant 1 : i32
      %add3A_147 = arith.addi %mul3A_145, %add3A_146 : i32
      %add3A_148 = arith.constant 1 : i32
      %add3A_149 = arith.addi %add3A_147, %add3A_148 : i32
      %mul3A_150 = arith.constant 800 : i32
      %mul3A_151 = arith.muli %add3A_149, %mul3A_150 : i32
      %dma_wait3A_152 = arith.constant 2 : i32
      %dma_wait3A_153 = arith.constant 0 : i32
      %dma_wait3A_154 = arith.constant 0 : i32
      %dma_wait3A_155 = tpu.memref_slice %arg6[%dma_wait3A_152, %dma_wait3A_153, %dma_wait3A_154] : memref<4x3x800xi32, #tpu.memory_space<vmem>> -> memref<1x3x800xi32, #tpu.memory_space<vmem>>
      %dma_wait3A_156 = tpu.memref_squeeze %dma_wait3A_155 : memref<1x3x800xi32, #tpu.memory_space<vmem>> -> memref<3x800xi32, #tpu.memory_space<vmem>>
      %dma_wait3A_157 = arith.constant 0 : i32
      %dma_wait3A_158 = tpu.memref_slice %arg3[%dma_wait3A_157, %mul3A_151] : memref<3x160000xi32, #tpu.memory_space<hbm>> -> memref<3x800xi32, #tpu.memory_space<hbm>>
      %dma_wait3A_159 = arith.constant 0 : i32
      %dma_wait3A_160 = arith.constant 0 : i32
      %dma_wait3A_161 = tpu.memref_slice %arg6[%dma_wait3A_152, %dma_wait3A_159, %dma_wait3A_160] : memref<4x3x800xi32, #tpu.memory_space<vmem>> -> memref<1x3x800xi32, #tpu.memory_space<vmem>>
      %dma_wait3A_162 = tpu.memref_squeeze %dma_wait3A_161 : memref<1x3x800xi32, #tpu.memory_space<vmem>> -> memref<3x800xi32, #tpu.memory_space<vmem>>
      %dma_wait3A_163 = arith.constant 0 : i32
      %dma_wait3A_164 = tpu.memref_slice %arg3[%dma_wait3A_163, %mul3A_151] : memref<3x160000xi32, #tpu.memory_space<hbm>> -> memref<3x800xi32, #tpu.memory_space<hbm>>
      tpu.wait_dma2 semaphore(%arg10 : memref<!tpu.dma_semaphore, #tpu.memory_space<semaphore_mem>>) src(%dma_wait3A_164 : memref<3x800xi32, #tpu.memory_space<hbm>>) dst(%dma_wait3A_162 : memref<3x800xi32, #tpu.memory_space<vmem>>)
      %parallel_loop3A_165 = arith.constant 0 : i32
      %parallel_loop3A_166 = arith.constant 50 : i32
      %parallel_loop3A_167 = arith.constant 1 : i32
      scf.for %parallel_loop3A_307 = %parallel_loop3A_165 to %parallel_loop3A_166 step %parallel_loop3A_167  : i32 {
        %parallel_loop3A_308 = arith.constant 16 : i32
        %parallel_loop3A_309 = arith.muli %parallel_loop3A_307, %parallel_loop3A_308 : i32
        %parallel_loop3A_310 = arith.constant 2 : i32
        %parallel_loop3A_311 = arith.constant 1 : i32
        %parallel_loop3A_312 = arith.index_cast %parallel_loop3A_310 : i32 to index
        %parallel_loop3A_313 = arith.index_cast %parallel_loop3A_311 : i32 to index
        %parallel_loop3A_314 = arith.index_cast %parallel_loop3A_309 : i32 to index
        %parallel_loop3A_315 = tpu.vector_load %arg6[%parallel_loop3A_312, %parallel_loop3A_313, %parallel_loop3A_314] {strides = array<i32>} : memref<4x3x800xi32, #tpu.memory_space<vmem>>, vector<16xi32>,
        %parallel_loop3A_316 = arith.constant 32 : i32
        %parallel_loop3A_317 = vector.broadcast %parallel_loop3A_316 : i32 to vector<16xi32>
        %parallel_loop3A_318 = arith.muli %parallel_loop3A_315, %parallel_loop3A_317 : vector<16xi32>
        %parallel_loop3A_319 = arith.constant 2 : i32
        %parallel_loop3A_320 = arith.muli %arg1, %parallel_loop3A_319 : i32
        %parallel_loop3A_321 = arith.addi %parallel_loop3A_320, %arg0 : i32
        %parallel_loop3A_322 = vector.broadcast %parallel_loop3A_321 : i32 to vector<16xi32>
        %parallel_loop3A_323 = arith.addi %parallel_loop3A_318, %parallel_loop3A_322 : vector<16xi32>
        %parallel_loop3A_324 = arith.constant 2 : i32
        %parallel_loop3A_325 = arith.constant 1 : i32
        %parallel_loop3A_326 = arith.index_cast %parallel_loop3A_324 : i32 to index
        %parallel_loop3A_327 = arith.index_cast %parallel_loop3A_325 : i32 to index
        %parallel_loop3A_328 = arith.index_cast %parallel_loop3A_309 : i32 to index
        %parallel_loop3A_329 = tpu.vector_load %arg6[%parallel_loop3A_326, %parallel_loop3A_327, %parallel_loop3A_328] {strides = array<i32>} : memref<4x3x800xi32, #tpu.memory_space<vmem>>, vector<16xi32>,
        tpu.vector_store %arg6[%parallel_loop3A_326, %parallel_loop3A_327, %parallel_loop3A_328], %parallel_loop3A_323 {strides = array<i32>} : memref<4x3x800xi32, #tpu.memory_space<vmem>>, vector<16xi32>,
      } {sc.loop_unroll_factor = 4 : i64, sc.parallel_access}
      %dma_start3A_168 = arith.constant 2 : i32
      %dma_start3A_169 = arith.constant 1 : i32
      %dma_start3A_170 = arith.constant 0 : i32
      %dma_start3A_171 = arith.constant 0 : i32
      %dma_start3A_172 = arith.constant 0 : i32
      %dma_start3A_173 = tpu.memref_slice %arg7[%dma_start3A_170, %dma_start3A_171, %dma_start3A_172] : memref<2x800x8xf32, #tpu.memory_space<vmem>> -> memref<1x800x8xf32, #tpu.memory_space<vmem>>
      %dma_start3A_174 = tpu.memref_squeeze %dma_start3A_173 : memref<1x800x8xf32, #tpu.memory_space<vmem>> -> memref<800x8xf32, #tpu.memory_space<vmem>>
      %dma_start3A_175 = arith.constant 0 : i32
      %dma_start3A_176 = tpu.memref_slice %arg6[%dma_start3A_168, %dma_start3A_169, %dma_start3A_175] : memref<4x3x800xi32, #tpu.memory_space<vmem>> -> memref<1x1x800xi32, #tpu.memory_space<vmem>>
      %dma_start3A_177 = tpu.memref_squeeze %dma_start3A_176 : memref<1x1x800xi32, #tpu.memory_space<vmem>> -> memref<800xi32, #tpu.memory_space<vmem>>
      %dma_start3A_178 = arith.constant 0 : i32
      %dma_start3A_179 = arith.constant 0 : i32
      %dma_start3A_180 = tpu.memref_slice %arg2[%dma_start3A_178, %dma_start3A_179] : memref<320000x8xf32, #tpu.memory_space<hbm>> -> memref<320000x8xf32, #tpu.memory_space<hbm>>
      tpu.enqueue_indirect_dma source(%dma_start3A_180 : memref<320000x8xf32, #tpu.memory_space<hbm>>) target(%dma_start3A_174 : memref<800x8xf32, #tpu.memory_space<vmem>>) offsets(%dma_start3A_177 : memref<800xi32, #tpu.memory_space<vmem>>) semaphore(%arg12 : memref<!tpu.dma_semaphore, #tpu.memory_space<semaphore_mem>>)
      %dma_wait3A_181 = arith.constant 1 : i32
      %dma_wait3A_182 = arith.constant 1 : i32
      %dma_wait3A_183 = arith.constant 1 : i32
      %dma_wait3A_184 = arith.constant 0 : i32
      %dma_wait3A_185 = arith.constant 0 : i32
      %dma_wait3A_186 = tpu.memref_slice %arg7[%dma_wait3A_183, %dma_wait3A_184, %dma_wait3A_185] : memref<2x800x8xf32, #tpu.memory_space<vmem>> -> memref<1x800x8xf32, #tpu.memory_space<vmem>>
      %dma_wait3A_187 = tpu.memref_squeeze %dma_wait3A_186 : memref<1x800x8xf32, #tpu.memory_space<vmem>> -> memref<800x8xf32, #tpu.memory_space<vmem>>
      %dma_wait3A_188 = arith.constant 0 : i32
      %dma_wait3A_189 = tpu.memref_slice %arg6[%dma_wait3A_181, %dma_wait3A_182, %dma_wait3A_188] : memref<4x3x800xi32, #tpu.memory_space<vmem>> -> memref<1x1x800xi32, #tpu.memory_space<vmem>>
      %dma_wait3A_190 = tpu.memref_squeeze %dma_wait3A_189 : memref<1x1x800xi32, #tpu.memory_space<vmem>> -> memref<800xi32, #tpu.memory_space<vmem>>
      %dma_wait3A_191 = arith.constant 0 : i32
      %dma_wait3A_192 = arith.constant 0 : i32
      %dma_wait3A_193 = tpu.memref_slice %arg2[%dma_wait3A_191, %dma_wait3A_192] : memref<320000x8xf32, #tpu.memory_space<hbm>> -> memref<320000x8xf32, #tpu.memory_space<hbm>>
      tpu.wait_indirect_dma semaphore(%arg13 : memref<!tpu.dma_semaphore, #tpu.memory_space<semaphore_mem>>) src(%dma_wait3A_193 : memref<320000x8xf32, #tpu.memory_space<hbm>>) dst(%dma_wait3A_187 : memref<800x8xf32, #tpu.memory_space<vmem>>)
      %add3A_194 = arith.constant 2 : i32
      %add3A_195 = arith.addi %add3A_147, %add3A_194 : i32
      %mul3A_196 = arith.constant 800 : i32
      %mul3A_197 = arith.muli %add3A_195, %mul3A_196 : i32
      %dma_start3A_198 = arith.constant 3 : i32
      %dma_start3A_199 = arith.constant 0 : i32
      %dma_start3A_200 = arith.constant 0 : i32
      %dma_start3A_201 = tpu.memref_slice %arg6[%dma_start3A_198, %dma_start3A_199, %dma_start3A_200] : memref<4x3x800xi32, #tpu.memory_space<vmem>> -> memref<1x3x800xi32, #tpu.memory_space<vmem>>
      %dma_start3A_202 = tpu.memref_squeeze %dma_start3A_201 : memref<1x3x800xi32, #tpu.memory_space<vmem>> -> memref<3x800xi32, #tpu.memory_space<vmem>>
      %dma_start3A_203 = arith.constant 0 : i32
      %dma_start3A_204 = tpu.memref_slice %arg3[%dma_start3A_203, %mul3A_197] : memref<3x160000xi32, #tpu.memory_space<hbm>> -> memref<3x800xi32, #tpu.memory_space<hbm>>
      %dma_start3A_205 = arith.constant 0 : i32
      %dma_start3A_206 = arith.constant 0 : i32
      %dma_start3A_207 = tpu.memref_slice %arg6[%dma_start3A_198, %dma_start3A_205, %dma_start3A_206] : memref<4x3x800xi32, #tpu.memory_space<vmem>> -> memref<1x3x800xi32, #tpu.memory_space<vmem>>
      %dma_start3A_208 = tpu.memref_squeeze %dma_start3A_207 : memref<1x3x800xi32, #tpu.memory_space<vmem>> -> memref<3x800xi32, #tpu.memory_space<vmem>>
      %dma_start3A_209 = arith.constant 0 : i32
      %dma_start3A_210 = tpu.memref_slice %arg3[%dma_start3A_209, %mul3A_197] : memref<3x160000xi32, #tpu.memory_space<hbm>> -> memref<3x800xi32, #tpu.memory_space<hbm>>
      tpu.enqueue_dma source(%dma_start3A_210 : memref<3x800xi32, #tpu.memory_space<hbm>>) target(%dma_start3A_208 : memref<3x800xi32, #tpu.memory_space<vmem>>) target_semaphore(%arg11 : memref<!tpu.dma_semaphore, #tpu.memory_space<semaphore_mem>>)
      %parallel_loop3A_211 = arith.constant 0 : i32
      %parallel_loop3A_212 = arith.constant 50 : i32
      %parallel_loop3A_213 = arith.constant 1 : i32
      scf.for %parallel_loop3A_307 = %parallel_loop3A_211 to %parallel_loop3A_212 step %parallel_loop3A_213  : i32 {
        %parallel_loop3A_308 = arith.constant 16 : i32
        %parallel_loop3A_309 = arith.muli %parallel_loop3A_307, %parallel_loop3A_308 : i32
        %parallel_loop3A_310 = arith.constant 1 : i32
        %parallel_loop3A_311 = arith.constant 0 : i32
        %parallel_loop3A_312 = arith.index_cast %parallel_loop3A_310 : i32 to index
        %parallel_loop3A_313 = arith.index_cast %parallel_loop3A_311 : i32 to index
        %parallel_loop3A_314 = arith.index_cast %parallel_loop3A_309 : i32 to index
        %parallel_loop3A_315 = tpu.vector_load %arg6[%parallel_loop3A_312, %parallel_loop3A_313, %parallel_loop3A_314] {strides = array<i32>} : memref<4x3x800xi32, #tpu.memory_space<vmem>>, vector<16xi32>,
        %parallel_loop3A_316 = arith.constant 8 : i32
        %parallel_loop3A_317 = vector.broadcast %parallel_loop3A_316 : i32 to vector<16xi32>
        %parallel_loop3A_318 = arith.muli %parallel_loop3A_315, %parallel_loop3A_317 : vector<16xi32>
        %parallel_loop3A_319 = arith.constant 1 : i32
        %parallel_loop3A_320 = arith.constant 2 : i32
        %parallel_loop3A_321 = arith.index_cast %parallel_loop3A_319 : i32 to index
        %parallel_loop3A_322 = arith.index_cast %parallel_loop3A_320 : i32 to index
        %parallel_loop3A_323 = arith.index_cast %parallel_loop3A_309 : i32 to index
        %parallel_loop3A_324 = tpu.vector_load %arg6[%parallel_loop3A_321, %parallel_loop3A_322, %parallel_loop3A_323] {strides = array<i32>} : memref<4x3x800xi32, #tpu.memory_space<vmem>>, vector<16xi32>,
        %parallel_loop3A_325 = vector.bitcast %parallel_loop3A_324 : vector<16xi32> to vector<16xf32>
        %parallel_loop3A_326 = arith.constant 0 : i32
        %parallel_loop3A_327 = arith.constant 8 : i32
        %parallel_loop3A_328 = arith.constant 1 : i32
        scf.for %parallel_loop3A_329 = %parallel_loop3A_326 to %parallel_loop3A_327 step %parallel_loop3A_328  : i32 {
          %parallel_loop3A_330 = arith.constant 2 : i32
          %parallel_loop3A_331 = arith.muli %parallel_loop3A_330, %parallel_loop3A_329 : i32
          %parallel_loop3A_332 = vector.broadcast %parallel_loop3A_331 : i32 to vector<16xi32>
          %parallel_loop3A_333 = arith.addi %parallel_loop3A_332, %convert_element_type3A : vector<16xi32>
          %parallel_loop3A_334 = vector.shape_cast %parallel_loop3A_333 : vector<16xi32> to vector<16x1xi32>
          %parallel_loop3A_335 = vector.shape_cast %parallel_loop3A_334 : vector<16x1xi32> to vector<16xi32>
          %parallel_loop3A_336 = tpu.dynamic_gather %parallel_loop3A_325[%parallel_loop3A_335] in [0] : vector<16xf32>, vector<16xi32> -> vector<16xf32>
          %parallel_loop3A_337 = vector.shape_cast %parallel_loop3A_333 : vector<16xi32> to vector<16x1xi32>
          %parallel_loop3A_338 = vector.shape_cast %parallel_loop3A_337 : vector<16x1xi32> to vector<16xi32>
          %parallel_loop3A_339 = tpu.dynamic_gather %parallel_loop3A_318[%parallel_loop3A_338] in [0] : vector<16xi32>, vector<16xi32> -> vector<16xi32>
          %parallel_loop3A_340 = arith.constant 16 : i32
          %parallel_loop3A_341 = arith.muli %parallel_loop3A_307, %parallel_loop3A_340 : i32
          %parallel_loop3A_342 = vector.broadcast %parallel_loop3A_341 : i32 to vector<16xi32>
          %parallel_loop3A_343 = arith.addi %parallel_loop3A_342, %parallel_loop3A_333 : vector<16xi32>
          %parallel_loop3A_344 = arith.constant 1 : i32
          %parallel_loop3A_345 = arith.constant 0 : i32
          %parallel_loop3A_346 = arith.constant 0 : i32
          %parallel_loop3A_347 = tpu.memref_slice %arg7[%parallel_loop3A_344, %parallel_loop3A_345, %parallel_loop3A_346] : memref<2x800x8xf32, #tpu.memory_space<vmem>> -> memref<1x800x8xf32, #tpu.memory_space<vmem>>
          %parallel_loop3A_348 = tpu.memref_squeeze %parallel_loop3A_347 : memref<1x800x8xf32, #tpu.memory_space<vmem>> -> memref<800x8xf32, #tpu.memory_space<vmem>>
          %parallel_loop3A_349 = tpu.vector_load_idx %parallel_loop3A_348[%parallel_loop3A_343, %and3A_1] : memref<800x8xf32, #tpu.memory_space<vmem>>[vector<16xi32>, vector<16xi32>], vector<16xf32>,
          %parallel_loop3A_350 = arith.addi %parallel_loop3A_339, %and3A_1 : vector<16xi32>
          %parallel_loop3A_351 = arith.mulf %parallel_loop3A_349, %parallel_loop3A_336 : vector<16xf32>
          tpu.vector_store_idx %arg5[%parallel_loop3A_350], %parallel_loop3A_351 {add = true} : memref<80000xf32, #tpu.memory_space<vmem>>[vector<16xi32>], vector<16xf32>,
        } {sc.loop_unroll_factor = 8 : i64, sc.parallel_access}
      } {sc.loop_unroll_factor = 2 : i64, sc.parallel_access}
      %mul3A_214 = arith.constant 4 : i32
      %mul3A_215 = arith.muli %scan3A_72, %mul3A_214 : i32
      %add3A_216 = arith.constant 2 : i32
      %add3A_217 = arith.addi %mul3A_215, %add3A_216 : i32
      %add3A_218 = arith.constant 1 : i32
      %add3A_219 = arith.addi %add3A_217, %add3A_218 : i32
      %mul3A_220 = arith.constant 800 : i32
      %mul3A_221 = arith.muli %add3A_219, %mul3A_220 : i32
      %dma_wait3A_222 = arith.constant 3 : i32
      %dma_wait3A_223 = arith.constant 0 : i32
      %dma_wait3A_224 = arith.constant 0 : i32
      %dma_wait3A_225 = tpu.memref_slice %arg6[%dma_wait3A_222, %dma_wait3A_223, %dma_wait3A_224] : memref<4x3x800xi32, #tpu.memory_space<vmem>> -> memref<1x3x800xi32, #tpu.memory_space<vmem>>
      %dma_wait3A_226 = tpu.memref_squeeze %dma_wait3A_225 : memref<1x3x800xi32, #tpu.memory_space<vmem>> -> memref<3x800xi32, #tpu.memory_space<vmem>>
      %dma_wait3A_227 = arith.constant 0 : i32
      %dma_wait3A_228 = tpu.memref_slice %arg3[%dma_wait3A_227, %mul3A_221] : memref<3x160000xi32, #tpu.memory_space<hbm>> -> memref<3x800xi32, #tpu.memory_space<hbm>>
      %dma_wait3A_229 = arith.constant 0 : i32
      %dma_wait3A_230 = arith.constant 0 : i32
      %dma_wait3A_231 = tpu.memref_slice %arg6[%dma_wait3A_222, %dma_wait3A_229, %dma_wait3A_230] : memref<4x3x800xi32, #tpu.memory_space<vmem>> -> memref<1x3x800xi32, #tpu.memory_space<vmem>>
      %dma_wait3A_232 = tpu.memref_squeeze %dma_wait3A_231 : memref<1x3x800xi32, #tpu.memory_space<vmem>> -> memref<3x800xi32, #tpu.memory_space<vmem>>
      %dma_wait3A_233 = arith.constant 0 : i32
      %dma_wait3A_234 = tpu.memref_slice %arg3[%dma_wait3A_233, %mul3A_221] : memref<3x160000xi32, #tpu.memory_space<hbm>> -> memref<3x800xi32, #tpu.memory_space<hbm>>
      tpu.wait_dma2 semaphore(%arg11 : memref<!tpu.dma_semaphore, #tpu.memory_space<semaphore_mem>>) src(%dma_wait3A_234 : memref<3x800xi32, #tpu.memory_space<hbm>>) dst(%dma_wait3A_232 : memref<3x800xi32, #tpu.memory_space<vmem>>)
      %parallel_loop3A_235 = arith.constant 0 : i32
      %parallel_loop3A_236 = arith.constant 50 : i32
      %parallel_loop3A_237 = arith.constant 1 : i32
      scf.for %parallel_loop3A_307 = %parallel_loop3A_235 to %parallel_loop3A_236 step %parallel_loop3A_237  : i32 {
        %parallel_loop3A_308 = arith.constant 16 : i32
        %parallel_loop3A_309 = arith.muli %parallel_loop3A_307, %parallel_loop3A_308 : i32
        %parallel_loop3A_310 = arith.constant 3 : i32
        %parallel_loop3A_311 = arith.constant 1 : i32
        %parallel_loop3A_312 = arith.index_cast %parallel_loop3A_310 : i32 to index
        %parallel_loop3A_313 = arith.index_cast %parallel_loop3A_311 : i32 to index
        %parallel_loop3A_314 = arith.index_cast %parallel_loop3A_309 : i32 to index
        %parallel_loop3A_315 = tpu.vector_load %arg6[%parallel_loop3A_312, %parallel_loop3A_313, %parallel_loop3A_314] {strides = array<i32>} : memref<4x3x800xi32, #tpu.memory_space<vmem>>, vector<16xi32>,
        %parallel_loop3A_316 = arith.constant 32 : i32
        %parallel_loop3A_317 = vector.broadcast %parallel_loop3A_316 : i32 to vector<16xi32>
        %parallel_loop3A_318 = arith.muli %parallel_loop3A_315, %parallel_loop3A_317 : vector<16xi32>
        %parallel_loop3A_319 = arith.constant 2 : i32
        %parallel_loop3A_320 = arith.muli %arg1, %parallel_loop3A_319 : i32
        %parallel_loop3A_321 = arith.addi %parallel_loop3A_320, %arg0 : i32
        %parallel_loop3A_322 = vector.broadcast %parallel_loop3A_321 : i32 to vector<16xi32>
        %parallel_loop3A_323 = arith.addi %parallel_loop3A_318, %parallel_loop3A_322 : vector<16xi32>
        %parallel_loop3A_324 = arith.constant 3 : i32
        %parallel_loop3A_325 = arith.constant 1 : i32
        %parallel_loop3A_326 = arith.index_cast %parallel_loop3A_324 : i32 to index
        %parallel_loop3A_327 = arith.index_cast %parallel_loop3A_325 : i32 to index
        %parallel_loop3A_328 = arith.index_cast %parallel_loop3A_309 : i32 to index
        %parallel_loop3A_329 = tpu.vector_load %arg6[%parallel_loop3A_326, %parallel_loop3A_327, %parallel_loop3A_328] {strides = array<i32>} : memref<4x3x800xi32, #tpu.memory_space<vmem>>, vector<16xi32>,
        tpu.vector_store %arg6[%parallel_loop3A_326, %parallel_loop3A_327, %parallel_loop3A_328], %parallel_loop3A_323 {strides = array<i32>} : memref<4x3x800xi32, #tpu.memory_space<vmem>>, vector<16xi32>,
      } {sc.loop_unroll_factor = 4 : i64, sc.parallel_access}
      %dma_start3A_238 = arith.constant 3 : i32
      %dma_start3A_239 = arith.constant 1 : i32
      %dma_start3A_240 = arith.constant 1 : i32
      %dma_start3A_241 = arith.constant 0 : i32
      %dma_start3A_242 = arith.constant 0 : i32
      %dma_start3A_243 = tpu.memref_slice %arg7[%dma_start3A_240, %dma_start3A_241, %dma_start3A_242] : memref<2x800x8xf32, #tpu.memory_space<vmem>> -> memref<1x800x8xf32, #tpu.memory_space<vmem>>
      %dma_start3A_244 = tpu.memref_squeeze %dma_start3A_243 : memref<1x800x8xf32, #tpu.memory_space<vmem>> -> memref<800x8xf32, #tpu.memory_space<vmem>>
      %dma_start3A_245 = arith.constant 0 : i32
      %dma_start3A_246 = tpu.memref_slice %arg6[%dma_start3A_238, %dma_start3A_239, %dma_start3A_245] : memref<4x3x800xi32, #tpu.memory_space<vmem>> -> memref<1x1x800xi32, #tpu.memory_space<vmem>>
      %dma_start3A_247 = tpu.memref_squeeze %dma_start3A_246 : memref<1x1x800xi32, #tpu.memory_space<vmem>> -> memref<800xi32, #tpu.memory_space<vmem>>
      %dma_start3A_248 = arith.constant 0 : i32
      %dma_start3A_249 = arith.constant 0 : i32
      %dma_start3A_250 = tpu.memref_slice %arg2[%dma_start3A_248, %dma_start3A_249] : memref<320000x8xf32, #tpu.memory_space<hbm>> -> memref<320000x8xf32, #tpu.memory_space<hbm>>
      tpu.enqueue_indirect_dma source(%dma_start3A_250 : memref<320000x8xf32, #tpu.memory_space<hbm>>) target(%dma_start3A_244 : memref<800x8xf32, #tpu.memory_space<vmem>>) offsets(%dma_start3A_247 : memref<800xi32, #tpu.memory_space<vmem>>) semaphore(%arg13 : memref<!tpu.dma_semaphore, #tpu.memory_space<semaphore_mem>>)
      %dma_wait3A_251 = arith.constant 2 : i32
      %dma_wait3A_252 = arith.constant 1 : i32
      %dma_wait3A_253 = arith.constant 0 : i32
      %dma_wait3A_254 = arith.constant 0 : i32
      %dma_wait3A_255 = arith.constant 0 : i32
      %dma_wait3A_256 = tpu.memref_slice %arg7[%dma_wait3A_253, %dma_wait3A_254, %dma_wait3A_255] : memref<2x800x8xf32, #tpu.memory_space<vmem>> -> memref<1x800x8xf32, #tpu.memory_space<vmem>>
      %dma_wait3A_257 = tpu.memref_squeeze %dma_wait3A_256 : memref<1x800x8xf32, #tpu.memory_space<vmem>> -> memref<800x8xf32, #tpu.memory_space<vmem>>
      %dma_wait3A_258 = arith.constant 0 : i32
      %dma_wait3A_259 = tpu.memref_slice %arg6[%dma_wait3A_251, %dma_wait3A_252, %dma_wait3A_258] : memref<4x3x800xi32, #tpu.memory_space<vmem>> -> memref<1x1x800xi32, #tpu.memory_space<vmem>>
      %dma_wait3A_260 = tpu.memref_squeeze %dma_wait3A_259 : memref<1x1x800xi32, #tpu.memory_space<vmem>> -> memref<800xi32, #tpu.memory_space<vmem>>
      %dma_wait3A_261 = arith.constant 0 : i32
      %dma_wait3A_262 = arith.constant 0 : i32
      %dma_wait3A_263 = tpu.memref_slice %arg2[%dma_wait3A_261, %dma_wait3A_262] : memref<320000x8xf32, #tpu.memory_space<hbm>> -> memref<320000x8xf32, #tpu.memory_space<hbm>>
      tpu.wait_indirect_dma semaphore(%arg12 : memref<!tpu.dma_semaphore, #tpu.memory_space<semaphore_mem>>) src(%dma_wait3A_263 : memref<320000x8xf32, #tpu.memory_space<hbm>>) dst(%dma_wait3A_257 : memref<800x8xf32, #tpu.memory_space<vmem>>)
      %add3A_264 = arith.constant 2 : i32
      %add3A_265 = arith.addi %add3A_217, %add3A_264 : i32
      %lt3A = arith.constant 200 : i32
      %lt3A_266 = arith.cmpi slt, %add3A_265, %lt3A : i32
      %convert_element_type3A_267 = arith.extui %lt3A_266 : i1 to i32
      %cond3A = arith.constant 0 : i32
      %cond3A_268 = arith.cmpi ne, %convert_element_type3A_267, %cond3A : i32
      scf.if %cond3A_268 {
        %add3A_307 = arith.constant 2 : i32
        %add3A_308 = arith.addi %add3A_217, %add3A_307 : i32
        %mul3A_309 = arith.constant 800 : i32
        %mul3A_310 = arith.muli %add3A_308, %mul3A_309 : i32
        %dma_start3A_311 = arith.constant 0 : i32
        %dma_start3A_312 = arith.constant 0 : i32
        %dma_start3A_313 = arith.constant 0 : i32
        %dma_start3A_314 = tpu.memref_slice %arg6[%dma_start3A_311, %dma_start3A_312, %dma_start3A_313] : memref<4x3x800xi32, #tpu.memory_space<vmem>> -> memref<1x3x800xi32, #tpu.memory_space<vmem>>
        %dma_start3A_315 = tpu.memref_squeeze %dma_start3A_314 : memref<1x3x800xi32, #tpu.memory_space<vmem>> -> memref<3x800xi32, #tpu.memory_space<vmem>>
        %dma_start3A_316 = arith.constant 0 : i32
        %dma_start3A_317 = tpu.memref_slice %arg3[%dma_start3A_316, %mul3A_310] : memref<3x160000xi32, #tpu.memory_space<hbm>> -> memref<3x800xi32, #tpu.memory_space<hbm>>
        %dma_start3A_318 = arith.constant 0 : i32
        %dma_start3A_319 = arith.constant 0 : i32
        %dma_start3A_320 = tpu.memref_slice %arg6[%dma_start3A_311, %dma_start3A_318, %dma_start3A_319] : memref<4x3x800xi32, #tpu.memory_space<vmem>> -> memref<1x3x800xi32, #tpu.memory_space<vmem>>
        %dma_start3A_321 = tpu.memref_squeeze %dma_start3A_320 : memref<1x3x800xi32, #tpu.memory_space<vmem>> -> memref<3x800xi32, #tpu.memory_space<vmem>>
        %dma_start3A_322 = arith.constant 0 : i32
        %dma_start3A_323 = tpu.memref_slice %arg3[%dma_start3A_322, %mul3A_310] : memref<3x160000xi32, #tpu.memory_space<hbm>> -> memref<3x800xi32, #tpu.memory_space<hbm>>
        tpu.enqueue_dma source(%dma_start3A_323 : memref<3x800xi32, #tpu.memory_space<hbm>>) target(%dma_start3A_321 : memref<3x800xi32, #tpu.memory_space<vmem>>) target_semaphore(%arg8 : memref<!tpu.dma_semaphore, #tpu.memory_space<semaphore_mem>>)
      } else {
      }
      %parallel_loop3A_269 = arith.constant 0 : i32
      %parallel_loop3A_270 = arith.constant 50 : i32
      %parallel_loop3A_271 = arith.constant 1 : i32
      scf.for %parallel_loop3A_307 = %parallel_loop3A_269 to %parallel_loop3A_270 step %parallel_loop3A_271  : i32 {
        %parallel_loop3A_308 = arith.constant 16 : i32
        %parallel_loop3A_309 = arith.muli %parallel_loop3A_307, %parallel_loop3A_308 : i32
        %parallel_loop3A_310 = arith.constant 2 : i32
        %parallel_loop3A_311 = arith.constant 0 : i32
        %parallel_loop3A_312 = arith.index_cast %parallel_loop3A_310 : i32 to index
        %parallel_loop3A_313 = arith.index_cast %parallel_loop3A_311 : i32 to index
        %parallel_loop3A_314 = arith.index_cast %parallel_loop3A_309 : i32 to index
        %parallel_loop3A_315 = tpu.vector_load %arg6[%parallel_loop3A_312, %parallel_loop3A_313, %parallel_loop3A_314] {strides = array<i32>} : memref<4x3x800xi32, #tpu.memory_space<vmem>>, vector<16xi32>,
        %parallel_loop3A_316 = arith.constant 8 : i32
        %parallel_loop3A_317 = vector.broadcast %parallel_loop3A_316 : i32 to vector<16xi32>
        %parallel_loop3A_318 = arith.muli %parallel_loop3A_315, %parallel_loop3A_317 : vector<16xi32>
        %parallel_loop3A_319 = arith.constant 2 : i32
        %parallel_loop3A_320 = arith.constant 2 : i32
        %parallel_loop3A_321 = arith.index_cast %parallel_loop3A_319 : i32 to index
        %parallel_loop3A_322 = arith.index_cast %parallel_loop3A_320 : i32 to index
        %parallel_loop3A_323 = arith.index_cast %parallel_loop3A_309 : i32 to index
        %parallel_loop3A_324 = tpu.vector_load %arg6[%parallel_loop3A_321, %parallel_loop3A_322, %parallel_loop3A_323] {strides = array<i32>} : memref<4x3x800xi32, #tpu.memory_space<vmem>>, vector<16xi32>,
        %parallel_loop3A_325 = vector.bitcast %parallel_loop3A_324 : vector<16xi32> to vector<16xf32>
        %parallel_loop3A_326 = arith.constant 0 : i32
        %parallel_loop3A_327 = arith.constant 8 : i32
        %parallel_loop3A_328 = arith.constant 1 : i32
        scf.for %parallel_loop3A_329 = %parallel_loop3A_326 to %parallel_loop3A_327 step %parallel_loop3A_328  : i32 {
          %parallel_loop3A_330 = arith.constant 2 : i32
          %parallel_loop3A_331 = arith.muli %parallel_loop3A_330, %parallel_loop3A_329 : i32
          %parallel_loop3A_332 = vector.broadcast %parallel_loop3A_331 : i32 to vector<16xi32>
          %parallel_loop3A_333 = arith.addi %parallel_loop3A_332, %convert_element_type3A : vector<16xi32>
          %parallel_loop3A_334 = vector.shape_cast %parallel_loop3A_333 : vector<16xi32> to vector<16x1xi32>
          %parallel_loop3A_335 = vector.shape_cast %parallel_loop3A_334 : vector<16x1xi32> to vector<16xi32>
          %parallel_loop3A_336 = tpu.dynamic_gather %parallel_loop3A_325[%parallel_loop3A_335] in [0] : vector<16xf32>, vector<16xi32> -> vector<16xf32>
          %parallel_loop3A_337 = vector.shape_cast %parallel_loop3A_333 : vector<16xi32> to vector<16x1xi32>
          %parallel_loop3A_338 = vector.shape_cast %parallel_loop3A_337 : vector<16x1xi32> to vector<16xi32>
          %parallel_loop3A_339 = tpu.dynamic_gather %parallel_loop3A_318[%parallel_loop3A_338] in [0] : vector<16xi32>, vector<16xi32> -> vector<16xi32>
          %parallel_loop3A_340 = arith.constant 16 : i32
          %parallel_loop3A_341 = arith.muli %parallel_loop3A_307, %parallel_loop3A_340 : i32
          %parallel_loop3A_342 = vector.broadcast %parallel_loop3A_341 : i32 to vector<16xi32>
          %parallel_loop3A_343 = arith.addi %parallel_loop3A_342, %parallel_loop3A_333 : vector<16xi32>
          %parallel_loop3A_344 = arith.constant 0 : i32
          %parallel_loop3A_345 = arith.constant 0 : i32
          %parallel_loop3A_346 = arith.constant 0 : i32
          %parallel_loop3A_347 = tpu.memref_slice %arg7[%parallel_loop3A_344, %parallel_loop3A_345, %parallel_loop3A_346] : memref<2x800x8xf32, #tpu.memory_space<vmem>> -> memref<1x800x8xf32, #tpu.memory_space<vmem>>
          %parallel_loop3A_348 = tpu.memref_squeeze %parallel_loop3A_347 : memref<1x800x8xf32, #tpu.memory_space<vmem>> -> memref<800x8xf32, #tpu.memory_space<vmem>>
          %parallel_loop3A_349 = tpu.vector_load_idx %parallel_loop3A_348[%parallel_loop3A_343, %and3A_1] : memref<800x8xf32, #tpu.memory_space<vmem>>[vector<16xi32>, vector<16xi32>], vector<16xf32>,
          %parallel_loop3A_350 = arith.addi %parallel_loop3A_339, %and3A_1 : vector<16xi32>
          %parallel_loop3A_351 = arith.mulf %parallel_loop3A_349, %parallel_loop3A_336 : vector<16xf32>
          tpu.vector_store_idx %arg5[%parallel_loop3A_350], %parallel_loop3A_351 {add = true} : memref<80000xf32, #tpu.memory_space<vmem>>[vector<16xi32>], vector<16xf32>,
        } {sc.loop_unroll_factor = 8 : i64, sc.parallel_access}
      } {sc.loop_unroll_factor = 2 : i64, sc.parallel_access}
      %mul3A_272 = arith.constant 4 : i32
      %mul3A_273 = arith.muli %scan3A_72, %mul3A_272 : i32
      %add3A_274 = arith.constant 3 : i32
      %add3A_275 = arith.addi %mul3A_273, %add3A_274 : i32
      %add3A_276 = arith.constant 1 : i32
      %add3A_277 = arith.addi %add3A_275, %add3A_276 : i32
      %lt3A_278 = arith.constant 200 : i32
      %lt3A_279 = arith.cmpi slt, %add3A_277, %lt3A_278 : i32
      %convert_element_type3A_280 = arith.extui %lt3A_279 : i1 to i32
      %cond3A_281 = arith.constant 0 : i32
      %cond3A_282 = arith.cmpi ne, %convert_element_type3A_280, %cond3A_281 : i32
      scf.if %cond3A_282 {
        %add3A_307 = arith.constant 1 : i32
        %add3A_308 = arith.addi %add3A_275, %add3A_307 : i32
        %mul3A_309 = arith.constant 800 : i32
        %mul3A_310 = arith.muli %add3A_308, %mul3A_309 : i32
        %dma_wait3A_311 = arith.constant 0 : i32
        %dma_wait3A_312 = arith.constant 0 : i32
        %dma_wait3A_313 = arith.constant 0 : i32
        %dma_wait3A_314 = tpu.memref_slice %arg6[%dma_wait3A_311, %dma_wait3A_312, %dma_wait3A_313] : memref<4x3x800xi32, #tpu.memory_space<vmem>> -> memref<1x3x800xi32, #tpu.memory_space<vmem>>
        %dma_wait3A_315 = tpu.memref_squeeze %dma_wait3A_314 : memref<1x3x800xi32, #tpu.memory_space<vmem>> -> memref<3x800xi32, #tpu.memory_space<vmem>>
        %dma_wait3A_316 = arith.constant 0 : i32
        %dma_wait3A_317 = tpu.memref_slice %arg3[%dma_wait3A_316, %mul3A_310] : memref<3x160000xi32, #tpu.memory_space<hbm>> -> memref<3x800xi32, #tpu.memory_space<hbm>>
        %dma_wait3A_318 = arith.constant 0 : i32
        %dma_wait3A_319 = arith.constant 0 : i32
        %dma_wait3A_320 = tpu.memref_slice %arg6[%dma_wait3A_311, %dma_wait3A_318, %dma_wait3A_319] : memref<4x3x800xi32, #tpu.memory_space<vmem>> -> memref<1x3x800xi32, #tpu.memory_space<vmem>>
        %dma_wait3A_321 = tpu.memref_squeeze %dma_wait3A_320 : memref<1x3x800xi32, #tpu.memory_space<vmem>> -> memref<3x800xi32, #tpu.memory_space<vmem>>
        %dma_wait3A_322 = arith.constant 0 : i32
        %dma_wait3A_323 = tpu.memref_slice %arg3[%dma_wait3A_322, %mul3A_310] : memref<3x160000xi32, #tpu.memory_space<hbm>> -> memref<3x800xi32, #tpu.memory_space<hbm>>
        tpu.wait_dma2 semaphore(%arg8 : memref<!tpu.dma_semaphore, #tpu.memory_space<semaphore_mem>>) src(%dma_wait3A_323 : memref<3x800xi32, #tpu.memory_space<hbm>>) dst(%dma_wait3A_321 : memref<3x800xi32, #tpu.memory_space<vmem>>)
        %parallel_loop3A_324 = arith.constant 0 : i32
        %parallel_loop3A_325 = arith.constant 50 : i32
        %parallel_loop3A_326 = arith.constant 1 : i32
        scf.for %parallel_loop3A_340 = %parallel_loop3A_324 to %parallel_loop3A_325 step %parallel_loop3A_326  : i32 {
          %parallel_loop3A_341 = arith.constant 16 : i32
          %parallel_loop3A_342 = arith.muli %parallel_loop3A_340, %parallel_loop3A_341 : i32
          %parallel_loop3A_343 = arith.constant 0 : i32
          %parallel_loop3A_344 = arith.constant 1 : i32
          %parallel_loop3A_345 = arith.index_cast %parallel_loop3A_343 : i32 to index
          %parallel_loop3A_346 = arith.index_cast %parallel_loop3A_344 : i32 to index
          %parallel_loop3A_347 = arith.index_cast %parallel_loop3A_342 : i32 to index
          %parallel_loop3A_348 = tpu.vector_load %arg6[%parallel_loop3A_345, %parallel_loop3A_346, %parallel_loop3A_347] {strides = array<i32>} : memref<4x3x800xi32, #tpu.memory_space<vmem>>, vector<16xi32>,
          %parallel_loop3A_349 = arith.constant 32 : i32
          %parallel_loop3A_350 = vector.broadcast %parallel_loop3A_349 : i32 to vector<16xi32>
          %parallel_loop3A_351 = arith.muli %parallel_loop3A_348, %parallel_loop3A_350 : vector<16xi32>
          %parallel_loop3A_352 = arith.constant 2 : i32
          %parallel_loop3A_353 = arith.muli %arg1, %parallel_loop3A_352 : i32
          %parallel_loop3A_354 = arith.addi %parallel_loop3A_353, %arg0 : i32
          %parallel_loop3A_355 = vector.broadcast %parallel_loop3A_354 : i32 to vector<16xi32>
          %parallel_loop3A_356 = arith.addi %parallel_loop3A_351, %parallel_loop3A_355 : vector<16xi32>
          %parallel_loop3A_357 = arith.constant 0 : i32
          %parallel_loop3A_358 = arith.constant 1 : i32
          %parallel_loop3A_359 = arith.index_cast %parallel_loop3A_357 : i32 to index
          %parallel_loop3A_360 = arith.index_cast %parallel_loop3A_358 : i32 to index
          %parallel_loop3A_361 = arith.index_cast %parallel_loop3A_342 : i32 to index
          %parallel_loop3A_362 = tpu.vector_load %arg6[%parallel_loop3A_359, %parallel_loop3A_360, %parallel_loop3A_361] {strides = array<i32>} : memref<4x3x800xi32, #tpu.memory_space<vmem>>, vector<16xi32>,
          tpu.vector_store %arg6[%parallel_loop3A_359, %parallel_loop3A_360, %parallel_loop3A_361], %parallel_loop3A_356 {strides = array<i32>} : memref<4x3x800xi32, #tpu.memory_space<vmem>>, vector<16xi32>,
        } {sc.loop_unroll_factor = 4 : i64, sc.parallel_access}
        %dma_start3A_327 = arith.constant 0 : i32
        %dma_start3A_328 = arith.constant 1 : i32
        %dma_start3A_329 = arith.constant 0 : i32
        %dma_start3A_330 = arith.constant 0 : i32
        %dma_start3A_331 = arith.constant 0 : i32
        %dma_start3A_332 = tpu.memref_slice %arg7[%dma_start3A_329, %dma_start3A_330, %dma_start3A_331] : memref<2x800x8xf32, #tpu.memory_space<vmem>> -> memref<1x800x8xf32, #tpu.memory_space<vmem>>
        %dma_start3A_333 = tpu.memref_squeeze %dma_start3A_332 : memref<1x800x8xf32, #tpu.memory_space<vmem>> -> memref<800x8xf32, #tpu.memory_space<vmem>>
        %dma_start3A_334 = arith.constant 0 : i32
        %dma_start3A_335 = tpu.memref_slice %arg6[%dma_start3A_327, %dma_start3A_328, %dma_start3A_334] : memref<4x3x800xi32, #tpu.memory_space<vmem>> -> memref<1x1x800xi32, #tpu.memory_space<vmem>>
        %dma_start3A_336 = tpu.memref_squeeze %dma_start3A_335 : memref<1x1x800xi32, #tpu.memory_space<vmem>> -> memref<800xi32, #tpu.memory_space<vmem>>
        %dma_start3A_337 = arith.constant 0 : i32
        %dma_start3A_338 = arith.constant 0 : i32
        %dma_start3A_339 = tpu.memref_slice %arg2[%dma_start3A_337, %dma_start3A_338] : memref<320000x8xf32, #tpu.memory_space<hbm>> -> memref<320000x8xf32, #tpu.memory_space<hbm>>
        tpu.enqueue_indirect_dma source(%dma_start3A_339 : memref<320000x8xf32, #tpu.memory_space<hbm>>) target(%dma_start3A_333 : memref<800x8xf32, #tpu.memory_space<vmem>>) offsets(%dma_start3A_336 : memref<800xi32, #tpu.memory_space<vmem>>) semaphore(%arg12 : memref<!tpu.dma_semaphore, #tpu.memory_space<semaphore_mem>>)
      } else {
      }
      %dma_wait3A_283 = arith.constant 3 : i32
      %dma_wait3A_284 = arith.constant 1 : i32
      %dma_wait3A_285 = arith.constant 1 : i32
      %dma_wait3A_286 = arith.constant 0 : i32
      %dma_wait3A_287 = arith.constant 0 : i32
      %dma_wait3A_288 = tpu.memref_slice %arg7[%dma_wait3A_285, %dma_wait3A_286, %dma_wait3A_287] : memref<2x800x8xf32, #tpu.memory_space<vmem>> -> memref<1x800x8xf32, #tpu.memory_space<vmem>>
      %dma_wait3A_289 = tpu.memref_squeeze %dma_wait3A_288 : memref<1x800x8xf32, #tpu.memory_space<vmem>> -> memref<800x8xf32, #tpu.memory_space<vmem>>
      %dma_wait3A_290 = arith.constant 0 : i32
      %dma_wait3A_291 = tpu.memref_slice %arg6[%dma_wait3A_283, %dma_wait3A_284, %dma_wait3A_290] : memref<4x3x800xi32, #tpu.memory_space<vmem>> -> memref<1x1x800xi32, #tpu.memory_space<vmem>>
      %dma_wait3A_292 = tpu.memref_squeeze %dma_wait3A_291 : memref<1x1x800xi32, #tpu.memory_space<vmem>> -> memref<800xi32, #tpu.memory_space<vmem>>
      %dma_wait3A_293 = arith.constant 0 : i32
      %dma_wait3A_294 = arith.constant 0 : i32
      %dma_wait3A_295 = tpu.memref_slice %arg2[%dma_wait3A_293, %dma_wait3A_294] : memref<320000x8xf32, #tpu.memory_space<hbm>> -> memref<320000x8xf32, #tpu.memory_space<hbm>>
      tpu.wait_indirect_dma semaphore(%arg13 : memref<!tpu.dma_semaphore, #tpu.memory_space<semaphore_mem>>) src(%dma_wait3A_295 : memref<320000x8xf32, #tpu.memory_space<hbm>>) dst(%dma_wait3A_289 : memref<800x8xf32, #tpu.memory_space<vmem>>)
      %add3A_296 = arith.constant 2 : i32
      %add3A_297 = arith.addi %add3A_275, %add3A_296 : i32
      %lt3A_298 = arith.constant 200 : i32
      %lt3A_299 = arith.cmpi slt, %add3A_297, %lt3A_298 : i32
      %convert_element_type3A_300 = arith.extui %lt3A_299 : i1 to i32
      %cond3A_301 = arith.constant 0 : i32
      %cond3A_302 = arith.cmpi ne, %convert_element_type3A_300, %cond3A_301 : i32
      scf.if %cond3A_302 {
        %add3A_307 = arith.constant 2 : i32
        %add3A_308 = arith.addi %add3A_275, %add3A_307 : i32
        %mul3A_309 = arith.constant 800 : i32
        %mul3A_310 = arith.muli %add3A_308, %mul3A_309 : i32
        %dma_start3A_311 = arith.constant 1 : i32
        %dma_start3A_312 = arith.constant 0 : i32
        %dma_start3A_313 = arith.constant 0 : i32
        %dma_start3A_314 = tpu.memref_slice %arg6[%dma_start3A_311, %dma_start3A_312, %dma_start3A_313] : memref<4x3x800xi32, #tpu.memory_space<vmem>> -> memref<1x3x800xi32, #tpu.memory_space<vmem>>
        %dma_start3A_315 = tpu.memref_squeeze %dma_start3A_314 : memref<1x3x800xi32, #tpu.memory_space<vmem>> -> memref<3x800xi32, #tpu.memory_space<vmem>>
        %dma_start3A_316 = arith.constant 0 : i32
        %dma_start3A_317 = tpu.memref_slice %arg3[%dma_start3A_316, %mul3A_310] : memref<3x160000xi32, #tpu.memory_space<hbm>> -> memref<3x800xi32, #tpu.memory_space<hbm>>
        %dma_start3A_318 = arith.constant 0 : i32
        %dma_start3A_319 = arith.constant 0 : i32
        %dma_start3A_320 = tpu.memref_slice %arg6[%dma_start3A_311, %dma_start3A_318, %dma_start3A_319] : memref<4x3x800xi32, #tpu.memory_space<vmem>> -> memref<1x3x800xi32, #tpu.memory_space<vmem>>
        %dma_start3A_321 = tpu.memref_squeeze %dma_start3A_320 : memref<1x3x800xi32, #tpu.memory_space<vmem>> -> memref<3x800xi32, #tpu.memory_space<vmem>>
        %dma_start3A_322 = arith.constant 0 : i32
        %dma_start3A_323 = tpu.memref_slice %arg3[%dma_start3A_322, %mul3A_310] : memref<3x160000xi32, #tpu.memory_space<hbm>> -> memref<3x800xi32, #tpu.memory_space<hbm>>
        tpu.enqueue_dma source(%dma_start3A_323 : memref<3x800xi32, #tpu.memory_space<hbm>>) target(%dma_start3A_321 : memref<3x800xi32, #tpu.memory_space<vmem>>) target_semaphore(%arg9 : memref<!tpu.dma_semaphore, #tpu.memory_space<semaphore_mem>>)
      } else {
      }
      %parallel_loop3A_303 = arith.constant 0 : i32
      %parallel_loop3A_304 = arith.constant 50 : i32
      %parallel_loop3A_305 = arith.constant 1 : i32
      scf.for %parallel_loop3A_307 = %parallel_loop3A_303 to %parallel_loop3A_304 step %parallel_loop3A_305  : i32 {
        %parallel_loop3A_308 = arith.constant 16 : i32
        %parallel_loop3A_309 = arith.muli %parallel_loop3A_307, %parallel_loop3A_308 : i32
        %parallel_loop3A_310 = arith.constant 3 : i32
        %parallel_loop3A_311 = arith.constant 0 : i32
        %parallel_loop3A_312 = arith.index_cast %parallel_loop3A_310 : i32 to index
        %parallel_loop3A_313 = arith.index_cast %parallel_loop3A_311 : i32 to index
        %parallel_loop3A_314 = arith.index_cast %parallel_loop3A_309 : i32 to index
        %parallel_loop3A_315 = tpu.vector_load %arg6[%parallel_loop3A_312, %parallel_loop3A_313, %parallel_loop3A_314] {strides = array<i32>} : memref<4x3x800xi32, #tpu.memory_space<vmem>>, vector<16xi32>,
        %parallel_loop3A_316 = arith.constant 8 : i32
        %parallel_loop3A_317 = vector.broadcast %parallel_loop3A_316 : i32 to vector<16xi32>
        %parallel_loop3A_318 = arith.muli %parallel_loop3A_315, %parallel_loop3A_317 : vector<16xi32>
        %parallel_loop3A_319 = arith.constant 3 : i32
        %parallel_loop3A_320 = arith.constant 2 : i32
        %parallel_loop3A_321 = arith.index_cast %parallel_loop3A_319 : i32 to index
        %parallel_loop3A_322 = arith.index_cast %parallel_loop3A_320 : i32 to index
        %parallel_loop3A_323 = arith.index_cast %parallel_loop3A_309 : i32 to index
        %parallel_loop3A_324 = tpu.vector_load %arg6[%parallel_loop3A_321, %parallel_loop3A_322, %parallel_loop3A_323] {strides = array<i32>} : memref<4x3x800xi32, #tpu.memory_space<vmem>>, vector<16xi32>,
        %parallel_loop3A_325 = vector.bitcast %parallel_loop3A_324 : vector<16xi32> to vector<16xf32>
        %parallel_loop3A_326 = arith.constant 0 : i32
        %parallel_loop3A_327 = arith.constant 8 : i32
        %parallel_loop3A_328 = arith.constant 1 : i32
        scf.for %parallel_loop3A_329 = %parallel_loop3A_326 to %parallel_loop3A_327 step %parallel_loop3A_328  : i32 {
          %parallel_loop3A_330 = arith.constant 2 : i32
          %parallel_loop3A_331 = arith.muli %parallel_loop3A_330, %parallel_loop3A_329 : i32
          %parallel_loop3A_332 = vector.broadcast %parallel_loop3A_331 : i32 to vector<16xi32>
          %parallel_loop3A_333 = arith.addi %parallel_loop3A_332, %convert_element_type3A : vector<16xi32>
          %parallel_loop3A_334 = vector.shape_cast %parallel_loop3A_333 : vector<16xi32> to vector<16x1xi32>
          %parallel_loop3A_335 = vector.shape_cast %parallel_loop3A_334 : vector<16x1xi32> to vector<16xi32>
          %parallel_loop3A_336 = tpu.dynamic_gather %parallel_loop3A_325[%parallel_loop3A_335] in [0] : vector<16xf32>, vector<16xi32> -> vector<16xf32>
          %parallel_loop3A_337 = vector.shape_cast %parallel_loop3A_333 : vector<16xi32> to vector<16x1xi32>
          %parallel_loop3A_338 = vector.shape_cast %parallel_loop3A_337 : vector<16x1xi32> to vector<16xi32>
          %parallel_loop3A_339 = tpu.dynamic_gather %parallel_loop3A_318[%parallel_loop3A_338] in [0] : vector<16xi32>, vector<16xi32> -> vector<16xi32>
          %parallel_loop3A_340 = arith.constant 16 : i32
          %parallel_loop3A_341 = arith.muli %parallel_loop3A_307, %parallel_loop3A_340 : i32
          %parallel_loop3A_342 = vector.broadcast %parallel_loop3A_341 : i32 to vector<16xi32>
          %parallel_loop3A_343 = arith.addi %parallel_loop3A_342, %parallel_loop3A_333 : vector<16xi32>
          %parallel_loop3A_344 = arith.constant 1 : i32
          %parallel_loop3A_345 = arith.constant 0 : i32
          %parallel_loop3A_346 = arith.constant 0 : i32
          %parallel_loop3A_347 = tpu.memref_slice %arg7[%parallel_loop3A_344, %parallel_loop3A_345, %parallel_loop3A_346] : memref<2x800x8xf32, #tpu.memory_space<vmem>> -> memref<1x800x8xf32, #tpu.memory_space<vmem>>
          %parallel_loop3A_348 = tpu.memref_squeeze %parallel_loop3A_347 : memref<1x800x8xf32, #tpu.memory_space<vmem>> -> memref<800x8xf32, #tpu.memory_space<vmem>>
          %parallel_loop3A_349 = tpu.vector_load_idx %parallel_loop3A_348[%parallel_loop3A_343, %and3A_1] : memref<800x8xf32, #tpu.memory_space<vmem>>[vector<16xi32>, vector<16xi32>], vector<16xf32>,
          %parallel_loop3A_350 = arith.addi %parallel_loop3A_339, %and3A_1 : vector<16xi32>
          %parallel_loop3A_351 = arith.mulf %parallel_loop3A_349, %parallel_loop3A_336 : vector<16xf32>
          tpu.vector_store_idx %arg5[%parallel_loop3A_350], %parallel_loop3A_351 {add = true} : memref<80000xf32, #tpu.memory_space<vmem>>[vector<16xi32>], vector<16xf32>,
        } {sc.loop_unroll_factor = 8 : i64, sc.parallel_access}
      } {sc.loop_unroll_factor = 2 : i64, sc.parallel_access}
      %scan3A_306 = arith.constant 0 : i32
      scf.yield %scan3A_306 : i32
    }
    %scan3A_70 = arith.constant 50 : i32
    %mul3A = arith.constant 2 : i32
    %mul3A_71 = arith.muli %arg1, %mul3A : i32
    %add3A = arith.addi %mul3A_71, %arg0 : i32
    "tpu.region"() ({
      %run_scoped3A = tpu.sem_alloc : memref<!tpu.dma_semaphore, #tpu.memory_space<semaphore_mem>>
      %dma_start3A_72 = arith.constant 0 : i32
      %dma_start3A_73 = tpu.memref_slice %arg4[%add3A, %dma_start3A_72] : memref<32x80000xf32, #tpu.memory_space<hbm>> -> memref<1x80000xf32, #tpu.memory_space<hbm>>
      %dma_start3A_74 = tpu.memref_squeeze %dma_start3A_73 : memref<1x80000xf32, #tpu.memory_space<hbm>> -> memref<80000xf32, #tpu.memory_space<hbm>>
      %dma_start3A_75 = arith.constant 0 : i32
      %dma_start3A_76 = tpu.memref_slice %arg4[%add3A, %dma_start3A_75] : memref<32x80000xf32, #tpu.memory_space<hbm>> -> memref<1x80000xf32, #tpu.memory_space<hbm>>
      %dma_start3A_77 = tpu.memref_squeeze %dma_start3A_76 : memref<1x80000xf32, #tpu.memory_space<hbm>> -> memref<80000xf32, #tpu.memory_space<hbm>>
      tpu.enqueue_dma source(%arg5 : memref<80000xf32, #tpu.memory_space<vmem>>) target(%dma_start3A_77 : memref<80000xf32, #tpu.memory_space<hbm>>) target_semaphore(%run_scoped3A : memref<!tpu.dma_semaphore, #tpu.memory_space<semaphore_mem>>)
      %dma_wait3A_78 = arith.constant 0 : i32
      %dma_wait3A_79 = tpu.memref_slice %arg4[%add3A, %dma_wait3A_78] : memref<32x80000xf32, #tpu.memory_space<hbm>> -> memref<1x80000xf32, #tpu.memory_space<hbm>>
      %dma_wait3A_80 = tpu.memref_squeeze %dma_wait3A_79 : memref<1x80000xf32, #tpu.memory_space<hbm>> -> memref<80000xf32, #tpu.memory_space<hbm>>
      %dma_wait3A_81 = arith.constant 0 : i32
      %dma_wait3A_82 = tpu.memref_slice %arg4[%add3A, %dma_wait3A_81] : memref<32x80000xf32, #tpu.memory_space<hbm>> -> memref<1x80000xf32, #tpu.memory_space<hbm>>
      %dma_wait3A_83 = tpu.memref_squeeze %dma_wait3A_82 : memref<1x80000xf32, #tpu.memory_space<hbm>> -> memref<80000xf32, #tpu.memory_space<hbm>>
      tpu.wait_dma2 semaphore(%run_scoped3A : memref<!tpu.dma_semaphore, #tpu.memory_space<semaphore_mem>>) src(%arg5 : memref<80000xf32, #tpu.memory_space<vmem>>) dst(%dma_wait3A_83 : memref<80000xf32, #tpu.memory_space<hbm>>)
      tpu.yield
    }) : () -> ()
    return
  }
}

module attributes {stable_mosaic.version = 14 : i64} {
  func.func @_matmul_body(%arg0: i32, %arg1: memref<1000x256xf32, #tpu.memory_space<vmem>>, %arg2: memref<256x256xf32, #tpu.memory_space<vmem>>, %arg3: memref<1000x256xf32, #tpu.memory_space<vmem>>) attributes {dimension_semantics = [#tpu.dimension_semantics<arbitrary>], iteration_bounds = array<i64: 10>, scalar_prefetch = 0 : i64, scratch_operands = 0 : i64, tpu.core_type = #tpu.core_type<tc>, window_params = [{transform_indices = @transform_0, window_bounds = array<i64: 1000, 256>}, {pipeline_mode = #tpu.pipeline_mode<synchronous>, transform_indices = @transform_1, window_bounds = array<i64: 256, 256>}, {transform_indices = @transform_2, window_bounds = array<i64: 1000, 256>}]} {
    %get3A = arith.constant 0 : index
    %get3A_0 = arith.constant 0 : index
    %get3A_1 = vector.load %arg1[%get3A, %get3A_0] : memref<1000x256xf32, #tpu.memory_space<vmem>>, vector<1000x256xf32>
    %get3A_2 = arith.constant 0 : index
    %get3A_3 = arith.constant 0 : index
    %get3A_4 = vector.load %arg2[%get3A_2, %get3A_3] : memref<256x256xf32, #tpu.memory_space<vmem>>, vector<256x256xf32>
    %dot_general3A = arith.constant dense<0.000000e+00> : vector<1000x256xf32>
    %dot_general3A_5 = tpu.matmul %get3A_1, %get3A_4, %dot_general3A {dimension_numbers = #tpu.dot_dimension_numbers<[1], [0], [0], [1], [0, 0, 1, 1], [], []>, transpose_lhs_hint = false} : vector<1000x256xf32>, vector<256x256xf32>, vector<1000x256xf32> -> vector<1000x256xf32>
    %swap3A = arith.constant 0 : index
    %swap3A_6 = arith.constant 0 : index
    %swap3A_7 = vector.load %arg3[%swap3A, %swap3A_6] : memref<1000x256xf32, #tpu.memory_space<vmem>>, vector<1000x256xf32>
    tpu.vector_store %arg3[%swap3A, %swap3A_6], %dot_general3A_5 {strides = array<i32>} : memref<1000x256xf32, #tpu.memory_space<vmem>>, vector<1000x256xf32>,
    return
  }
  func.func @transform_0(%arg0: i32) -> (i32, i32) {
    %c0_i32 = arith.constant 0 : i32
    %c0_i32_0 = arith.constant 0 : i32
    return %arg0, %c0_i32 : i32, i32
  }
  func.func @transform_1(%arg0: i32) -> (i32, i32) {
    %c0_i32 = arith.constant 0 : i32
    %c0_i32_0 = arith.constant 0 : i32
    %c0_i32_1 = arith.constant 0 : i32
    return %c0_i32, %c0_i32_0 : i32, i32
  }
  func.func @transform_2(%arg0: i32) -> (i32, i32) {
    %c0_i32 = arith.constant 0 : i32
    %c0_i32_0 = arith.constant 0 : i32
    return %arg0, %c0_i32 : i32, i32
  }
}

</mosaic_0001>

<sc_bundles>
// kernel: kernel.4.cloned.1.call-start
scs
__scs_entry_jumppad:
0x0: {  	(pc) =	sbr.rel $0x88, $3  }
0x1: {  	(tag) =	ssettag $0x0;
	lr =	simm.s32 $0x1  }
0x2: {  	[smem:$0x3F9D] =	sst lr;
	_ =	strace $0xD0000000  }
0x3: {  	_ = 	snop  }
0x4: {  	_ = 	snop  }
0x5: {  	_ = 	snop  }
0x6: {  	_ = 	snop  }
0x7: {  	_ = 	snop  }
__scs_overlays_trampoline_lowered:
0x8: {  	[smem:$0x3FAC] =	sst s0  }
0x9: {  	[smem:$0x3FAD] =	sst s1  }
0xa: {  	[smem:$0x3FAE] =	sst s2  }
0xb: {  	[smem:$0x3FAF] =	sst s3  }
0xc: {  	[smem:$0x3FB0] =	sst s4  }
0xd: {  	[smem:$0x3FB1] =	sst s5  }
0xe: {  	[smem:$0x3FB2] =	sst s6  }
0xf: {  	[smem:$0x3FB3] =	sst s7  }
0x10: {  	[smem:$0x3FB4] =	sst s8  }
0x11: {  	[smem:$0x3FB5] =	sst s9;
	s0 =	simm.s32 @!p0 $0x0  }
0x12: {  	s1 =	sld [smem:$0x3F9B];
	s0 =	simm.s32 @p0 $0x1  }
0x13: {  	[smem:$0x3FB6] =	sst s0;
	s0 =	simm.s32 @!p1 $0x0  }
0x14: {  	s2 =	sld [smem:$0x3F9A];
	s0 =	simm.s32 @p1 $0x1  }
0x15: {  	[smem:$0x3FB7] =	sst s0;
	s0 =	simm.s32 @!p2 $0x0  }
0x16: {  	s3 =	sld [smem:$0x3FDB];
	s0 =	simm.s32 @p2 $0x1  }
0x17: {  	s4 =	simm.s32 $0x1BF5;
	[smem:$0x3FB9] =	sst s0  }
0x18: {  	s0 =	sld [smem:$0x3F9C];
	_ =	swait.ge [sflag:s4], $0x0  }
0x19: {  	s7 =	sld [smem:$0x3F9D]  }
0x1a: {  	s8 =	sadd.s32 $0xFFFFE003, lr  }
0x1b: {  	s9 =	sadd.s32 $0xFFFFFEF7, lr;
	s5 =	simm.s32 $0xFFFFFFFF;
	p2 =	slt.u32 s8, $0xFFFFF086  }
0x1c: {  	p1 =	slt.u32 s9, $0xF7A;
	s5 =	simm.s32 @!p2 $0x0  }
0x1d: {  	s5 =	simm.s32 @p1 $0x1;
	p0 =	seq.s32 s7, s2  }
0x1e: {  	s7 =	smul.u32 @!p0 $0xF7A, s2;
	p2 =	seq.s32 @!p0 s5, $0x0  }
0x1f: {  	s9 =	smul.u32 $0xF7A, s1;
	s8 =	simm.s32 @!p0 $0x1BF5;
	p2 =	por !p2, p0  }
0x20: {  	[sflag:s8] =	ssyncset.s32 @!p0 $0xFFFFF086;
	s6 =	sadd.s32 @!p0 s3, s7;
	s7 =	simm.s32 @!p0 $0x108  }
0x21: {  	s3 =	sadd.s32 s3, s9;
	s6 =	sadd.s32 @!p0 $0x88, s6;
	s7 =	simm.s32 @p2 $0x1082  }
0x22: {  	[simem:s7], [sflag:s8] =	dma.local @!p0 [hbm:s6], $0xF7A  }
0x23: {  	s9 =	sor.u32 $0xD0000000, s2;
	s6 =	simm.s32 $0x108;
	_ =	swait.ge @!p0 [sflag:s8], $0x0  }
0x24: {  	s3 =	sadd.s32 $0x88, s3;
	s6 =	simm.s32 @!p1 $0x1082;
	[sflag:s4] =	ssyncset.s32 $0xFFFFF086  }
0x25: {  	[simem:s6], [sflag:s4] =	dma.local [hbm:s3], $0xF7A  }
0x26: {  	[smem:$0x3F9D] =	sst s1;
	(tag) =	ssettag s2;
	_ =	strace s9  }
0x27: {  	s1 =	sld [smem:$0x3FAD]  }
0x28: {  	s2 =	sld [smem:$0x3FAE]  }
0x29: {  	s4 =	sld [smem:$0x3FB0]  }
0x2a: {  	p0 =	seq.s32 s5, $0x0;
	s5 =	sld [smem:$0x3FB1]  }
0x2b: {  	s6 =	sld [smem:$0x3FB2]  }
0x2c: {  	s7 =	sld [smem:$0x3FB3]  }
0x2d: {  	s3 =	simm.s32 $0x108;
	s8 =	sld [smem:$0x3FB4]  }
0x2e: {  	s3 =	simm.s32 @!p0 $0x1082;
	s9 =	sld [smem:$0x3FB5]  }
0x2f: {  	lr =	sadd.s32 s0, s3;
	s0 =	sld [smem:$0x3FAC]  }
0x30: {  	s3 =	sld [smem:$0x3FAF]  }
0x31: {  	[smem:$0x3FB8] =	sst s10  }
0x32: {  	s10 =	sld [smem:$0x3FB6];
	_ =	sdelay $0x3  }
0x33: {  	p0 =	seq.s32 s10, $0x1;
	s10 =	sld [smem:$0x3FB8];
	_ =	sdelay $0x3  }
0x34: {  	[smem:$0x3FB8] =	sst s10  }
0x35: {  	s10 =	sld [smem:$0x3FB7];
	_ =	sdelay $0x3  }
0x36: {  	p1 =	seq.s32 s10, $0x1;
	s10 =	sld [smem:$0x3FB8];
	_ =	sdelay $0x3  }
0x37: {  	[smem:$0x3FB8] =	sst s10  }
0x38: {  	s10 =	sld [smem:$0x3FB9]  }
0x39: {  	_ = 	snop;
	(pc) =	sbr.ind lr, $3  }
0x3a: {  	_ = 	snop  }
0x3b: {  	_ = 	snop  }
0x3c: {  	p2 =	seq.s32 s10, $0x1;
	s10 =	sld [smem:$0x3FB8]  }
0x3d: {  	_ =	shalt  }
0x3e: {  	_ =	shalt  }
0x3f: {  	_ =	shalt  }
0x40: {  	_ =	shalt  }
0x41: {  	_ =	shalt  }
0x42: {  	_ =	shalt  }
0x43: {  	_ =	shalt  }
0x44: {  	_ =	shalt  }
0x45: {  	_ =	shalt  }
0x46: {  	_ =	shalt  }
0x47: {  	_ =	shalt  }
0x48: {  	_ =	shalt  }
0x49: {  	_ =	shalt  }
0x4a: {  	_ =	shalt  }
0x4b: {  	_ =	shalt  }
0x4c: {  	_ =	shalt  }
0x4d: {  	_ =	shalt  }
0x4e: {  	_ =	shalt  }
0x4f: {  	_ =	shalt  }
0x50: {  	_ =	shalt  }
0x51: {  	_ =	shalt  }
0x52: {  	_ =	shalt  }
0x53: {  	_ =	shalt  }
0x54: {  	_ =	shalt  }
0x55: {  	_ =	shalt  }
0x56: {  	_ =	shalt  }
0x57: {  	_ =	shalt  }
0x58: {  	_ =	shalt  }
0x59: {  	_ =	shalt  }
0x5a: {  	_ =	shalt  }
0x5b: {  	_ =	shalt  }
0x5c: {  	_ =	shalt  }
0x5d: {  	_ =	shalt  }
0x5e: {  	_ =	shalt  }
0x5f: {  	_ =	shalt  }
0x60: {  	_ =	shalt  }
0x61: {  	_ =	shalt  }
0x62: {  	_ =	shalt  }
0x63: {  	_ =	shalt  }
0x64: {  	_ =	shalt  }
0x65: {  	_ =	shalt  }
0x66: {  	_ =	shalt  }
0x67: {  	_ =	shalt  }
0x68: {  	_ =	shalt  }
0x69: {  	_ =	shalt  }
0x6a: {  	_ =	shalt  }
0x6b: {  	_ =	shalt  }
0x6c: {  	_ =	shalt  }
0x6d: {  	_ =	shalt  }
0x6e: {  	_ =	shalt  }
0x6f: {  	_ =	shalt  }
0x70: {  	_ =	shalt  }
0x71: {  	_ =	shalt  }
0x72: {  	_ =	shalt  }
0x73: {  	_ =	shalt  }
0x74: {  	_ =	shalt  }
0x75: {  	_ =	shalt  }
0x76: {  	_ =	shalt  }
0x77: {  	_ =	shalt  }
0x78: {  	_ =	shalt  }
0x79: {  	_ =	shalt  }
0x7a: {  	_ =	shalt  }
0x7b: {  	_ =	shalt  }
0x7c: {  	_ =	shalt  }
0x7d: {  	_ =	shalt  }
0x7e: {  	_ =	shalt  }
0x7f: {  	_ =	shalt  }
0x80: {  	_ =	shalt  }
0x81: {  	_ =	shalt  }
0x82: {  	_ =	shalt  }
0x83: {  	_ =	shalt  }
0x84: {  	_ =	shalt  }
0x85: {  	_ =	shalt  }
0x86: {  	_ =	shalt  }
0x87: {  	_ =	shalt  }
.Lfunc_end0:
.L_simem_size_0:
called_computation_lowered:
.L_overlay_start_0:
0x88: {  	s2 =	sld [smem:$0x3FD9]  }
0x89: {  	s3 =	sld [smem:$0x3FFE];
	_ =	sdelay $0x1  }
0x8a: {  	s1 =	srdreg.scid  }
0x8b: {  	s0 =	sand.u32 $0x1, s1  }
0x8c: {  	s17 =	sshll.u32 s0, $0xA;
	s2 =	sadd.s32 s3, s2  }
0x8d: {  	s2 =	sadd.s32 s2, s17  }
0x8e: {  	[smem:$0x3FC4] =	sst s2  }
0x8f: {  	_ = 	snop  }
0x90: {  	s2 =	sld [smem:$0x3FD0];
	(tm) =	ssettm $0x1  }
0x91: {  	s18 =	sld [smem:$0x3FFB];
	_ =	sdelay $0x3  }
0x92: {  	_ =	strace s18  }
0x93: {  	s3 =	sld [smem:$0x3FFC];
	_ =	sdelay $0x3  }
0x94: {  	_ =	strace s3  }
0x95: {  	s3 =	sld [smem:$0x3FFD];
	_ =	sdelay $0x3  }
0x96: {  	_ =	strace s3  }
0x97: {  	_ =	strace $0x8FFFFFFF  }
0x98: {  	s19 =	sld [smem:$0x3FDB];
	_ =	sdelay $0x1  }
0x99: {  	s4 =	simm.s32 $_scs_section_size  }
0x9a: {  	s5 =	simm.s32 $_size__tile_overlayer_lowered;
	s6 =	simm.s32 $_tile_overlayer_lowered  }
0x9b: {  	s22 =	simm.s32 $0x1BFF;
	s21 =	sshll.u32 s6, $0x1;
	s3 =	sadd.s32 s4, s19  }
0x9c: {  	s7 =	simm.s32 $0x0;
	s20 =	sshll.u32 s5, $0x1;
	s5 =	sadd.s32 s21, s3  }
0x9d: {  	[timem:s7], [sflag:s22] =	dma.local [hbm:s5], s20  }
0x9e: {  	_ =	swait.ge [sflag:s22], s20  }
0x9f: {  	s4 =	ssub.s32 $0x0, s20;
	[sflag:s22] =	ssyncset.done $0x0  }
0xa0: {  	[sflag:s22] =	ssyncadd.s32 s4;
	_ =	sdelay $0x1  }
0xa1: {  	s23 =	simm.s32 $0x1B8B  }
0xa2: {  	_ =	swait.ge [sflag:s23], $0x1  }
0xa3: {  	[sflag:s23] =	ssyncset.done $0x0  }
0xa4: {  	s25 =	simm.s32 $0x1B8E;
	s24 =	sld [smem:$0x3FFE];
	[sflag:s23] =	ssyncadd.s32 $0xFFFFFFFF  }
0xa5: {  	s26 =	simm.s32 $execute0_lowered;
	[smem:$0x3FD2] =	sst s25  }
0xa6: {  	s5 =	sshll.u32 s26, $0x1;
	_ =	strace $0x80000046;
	[dreg:$0x1] =	wrdreg $0xFFFFFFFF  }
0xa7: {  	s28 =	simm.s32 $_size_execute0_lowered;
	s3 =	sadd.s32 s3, s5;
	[dreg:$0x0] =	wrdreg $0x0  }
0xa8: {  	s5 =	sshll.u32 s28, $0x1;
	[dreg:$0x2] =	wrdreg s3  }
0xa9: {  	[dreg:$0x3] =	wrdreg s5  }
0xaa: {  	[dreg:$0x4] =	wrdreg $0xC0  }
0xab: {  	_ =	task [dreg:s7], $0x5FFFF  }
0xac: {  	[dreg:$0x1] =	wrdreg $0xFFFFFFFF  }
0xad: {  	[dreg:$0x0] =	wrdreg $0x60  }
0xae: {  	[dreg:$0x2] =	wrdreg s2  }
0xaf: {  	[dreg:$0x3] =	wrdreg s24  }
0xb0: {  	[dreg:$0x4] =	wrdreg $0x9  }
0xb1: {  	_ =	task.clear_ibuf [dreg:s7], $0x5FFFF;
	_ =	strace $0x90000046  }
0xb2: {  	s29 =	simm.s32 $0x9;
	_ =	strace $0x80000048  }
0xb3: {  	_ =	swait.ge [sflag:s29], $0x1  }
0xb4: {  	[sflag:s29] =	ssyncadd.s32 $0xFFFFFFFF  }
0xb5: {  	_ =	strace $0x90000048  }
0xb6: {  	_ =	sfence  }
0xb7: {  	s30 =	sld [smem:$0x0];
	_ =	sdelay $0x2  }
0xb8: {  	s31 =	sshll.u32 s1, $0xD;
	s1 =	sshrl.u32 s1, $0x2  }
0xb9: {  	s3 =	sand.u32 $0x4000, s31;
	s1 =	sadd.s32 s1, s30  }
0xba: {  	s0 =	sor.u32 s3, s0;
	s1 =	sshll.u32 s1, $0x11  }
0xbb: {  	s0 =	sor.u32 s1, s0  }
0xbc: {  	s0 =	sadd.s32 $0x8F2B, s0  }
0xbd: {  	[sflag:s0] =	ssyncadd.remote.s32 $0x1  }
0xbe: {  	_ =	sfence.sel $0xFFFF  }
0xbf: {  	[dreg:$0x0] =	wrdreg $0xFFFFFFFF;
	(pc) =	sbr.abs _section_cstart, $3  }
0xc0: {  	[dreg:$0x1] =	wrdreg $0xFFFFFFFF  }
0xc1: {  	_ =	task.clear_ibuf [dreg:s7], $0x2FFFF;
	_ =	strace $0x9FFFFFFF  }
0xc2: {  	(tm) =	ssettm $0x7FFFFFFF  }
0xc3: {  	_ =	shalt  }
tec
execute0_lowered:
.L_overlay_start_1:
0x0: {  	(tag) =	ssettag $0x1  }
0x1: {  	s2 =	rddreg [dreg:$0x0]  }
0x2: {  	s0 =	srdreg.scid;
	s3 =	stileid.u32  }
0x3: {  	s1 =	rddreg [dreg:$0x1];
	s8 =	simm.s32 $0x320;
	s9 =	simm.s32 $0x27100  }
0x4: {  	s11 =	simm.s32 $0x141E0;
	s12 =	simm.s32 $0x1;
	s13 =	simm.s32 $0x13BA0  }
0x5: {  	s14 =	simm.s32 $0x15E00;
	s15 =	simm.s32 $0x2;
	s16 =	simm.s32 $0x14500  }
0x6: {  	s17 =	simm.s32 $0x17700;
	s18 =	simm.s32 $0x5;
	s19 =	simm.s32 $0x14B40  }
0x7: {  	v11 =	vlaneseq.u32;
	s20 =	simm.s32 $0x3;
	s21 =	simm.s32 $0x14E60;
	s22 =	simm.s32 $0x6  }
0x8: {  	s23 =	simm.s32 $0x154A0;
	s24 =	simm.s32 $0x4;
	s25 =	simm.s32 $0x157C0;
	v0 =	vshrl.u32 v11, $0x3  }
0x9: {  	v3 =	vimm.f32 $0.0e+00;
	s26 =	simm.s32 $0x7;
	s0 =	sand.u32 $0x1, s0;
	s4 =	sshll.u32 s3, $0x1;
	v11 =	vand.u32 $0x7, v11;
	v1 =	vmul.u32 $0x8, v0  }
0xa: {  	s28 =	simm.s32 $0x0;
	s3 =	simm.s32 $0x0;
	s10 =	sor.u32 s0, s4;
	v12 =	vor.u32 $0x2, v0;
	v13 =	vor.u32 $0x4, v0;
	v14 =	vor.u32 $0x6, v0  }
0xb: {  	[smem:$0x7FF] =	sst s3;
	s0 =	ssub.s32 $0x2, s0;
	v15 =	vor.u32 $0x8, v0;
	v16 =	vor.u32 $0xA, v0;
	v17 =	vor.u32 $0xC, v0;
	s5 =	smul.u32 $0x2710, s10  }
0xc: {  	s4 =	sadd.s32 $0x800, s1;
	v18 =	vor.u32 $0xE, v0;
	_ =	strace $0x80000047;
	s31 =	sshrl.u32 s0, $0x1;
	v2 =	vmov s10;
	v4 =	vor.u32 $0x70, v1  }
0xd: {  	s0 =	ssub.s32 s0, s31;
	v5 =	vor.u32 $0x60, v1;
	v6 =	vor.u32 $0x50, v1;
	v7 =	vor.u32 $0x40, v1;
	s6 =	sadd.s32 s5, s1;
	s1 =	sadd.s32 $0x864, s1  }
0xe: {  	v8 =	vor.u32 $0x30, v1;
	v9 =	vor.u32 $0x20, v1;
	v10 =	vor.u32 $0x10, v1;
	s7 =	smax.u32 s0, $0x1;
	[dreg:$0x3] =	wrdreg s1;
	s6 =	sadd.s32 $0xF400, s6  }
.LBB2_1:
0xf: {  	s0 =	simm.s32 $0x40  }
0x10: {  	[tilespmem:s0+$0xFFFFFFC0] =	vst v3  }
0x11: {  	[tilespmem:s0+$0x30] =	vst v3  }
0x12: {  	[tilespmem:s0+$0x20] =	vst v3  }
0x13: {  	[tilespmem:s0+$0x10] =	vst v3  }
0x14: {  	[tilespmem:s0+$0x0] =	vst v3  }
0x15: {  	[tilespmem:s0+$0xFFFFFFF0] =	vst v3  }
0x16: {  	s1 =	simm.s32 $0x0;
	[tilespmem:s0+$0xFFFFFFE0] =	vst v3  }
.LBB2_2:
0x17: {  	s1 =	sadd.s32 $0x8, s1;
	[tilespmem:s0+$0xFFFFFFD0] =	vst v3;
	s0 =	sadd.s32 $0x80, s0  }
0x18: {  	[tilespmem:s0+$0xFFFFFFC0] =	vst v3;
	p0 =	slt.u32 s1, $0x1380  }
0x19: {  	[tilespmem:s0+$0x30] =	vst v3  }
.Ltmp0:
0x1a: {  	[tilespmem:s0+$0x20] =	vst v3;
	(pc) =	sbr.rel @p0 .LBB2_2-.Ltmp0, $4  }
0x1b: {  	[tilespmem:s0+$0x10] =	vst v3  }
0x1c: {  	[tilespmem:s0+$0x0] =	vst v3  }
0x1d: {  	[tilespmem:s0+$0xFFFFFFF0] =	vst v3  }
0x1e: {  	[tilespmem:s0+$0xFFFFFFE0] =	vst v3  }
0x1f: {  	[tilespmem:s0+$0xFFFFFFD0] =	vst v3;
	s30 =	simm.s32 $0x13880  }
0x20: {  	[tilespmem:s30], [sflag:$0x1] =	stream.strided.gather [hbm4b:s4+s8], $0x960, s9, s8, $0x38;
	[tilespmem:$0x19000] =	vst v63  }
0x21: {  	s31 =	rddreg [dreg:$0x3]  }
0x22: {  	[tilespmem:s11], [sflag:$0x2] =	stream.strided.gather [hbm4b:s31+s8], $0x960, s9, s8, $0x38;
	[tilespmem:$0x19000] =	vst v63  }
0x23: {  	_ =	swait.ge [sflag:s12], $0x960  }
0x24: {  	[sflag:s12] =	ssyncset.done $0x0  }
0x25: {  	s1 =	simm.s32 $0x13BD0;
	[sflag:s12] =	ssyncadd.s32 $0xFFFFF6A0  }
0x26: {  	v19 =	vld [tilespmem:s1+$0xFFFFFFD0]  }
0x27: {  	v21 =	vld [tilespmem:s1+$0x0]  }
0x28: {  	v22 =	vld [tilespmem:s1+$0xFFFFFFF0]  }
0x29: {  	v23 =	vld [tilespmem:s1+$0xFFFFFFE0];
	_ =	sdelay $0x1  }
0x2a: {  	s0 =	simm.s32 $0x13C10;
	v19 =	vshll.u32 v19, $0x5  }
0x2b: {  	v20 =	vld [tilespmem:s0+$0xFFFFFFD0];
	v21 =	vshll.u32 v21, $0x5;
	v24 =	vor.u32 v2, v19  }
0x2c: {  	v22 =	vshll.u32 v22, $0x5;
	v19 =	vld [tilespmem:s0+$0x0];
	v63 =	vor.u32 v2, v21;
	[tilespmem:s1+$0xFFFFFFD0] =	vst v24  }
0x2d: {  	v23 =	vshll.u32 v23, $0x5;
	v21 =	vld [tilespmem:s0+$0xFFFFFFF0];
	v25 =	vor.u32 v2, v22;
	[tilespmem:s1+$0x0] =	vst v63  }
0x2e: {  	s10 =	simm.s32 $0x4;
	v22 =	vld [tilespmem:s0+$0xFFFFFFE0];
	v23 =	vor.u32 v2, v23;
	[tilespmem:s1+$0xFFFFFFF0] =	vst v25  }
.LBB2_4:
0x2f: {  	s10 =	sadd.s32 $0x4, s10  }
0x30: {  	[tilespmem:s1+$0xFFFFFFE0] =	vst v23;
	s1 =	smov.u32 s0;
	p0 =	slt.u32 s10, $0x2C  }
.Ltmp1:
0x31: {  	s0 =	sadd.s32 $0x40, s0;
	v23 =	vshll.u32 v20, $0x5;
	(pc) =	sbr.rel @p0 .LBB2_4-.Ltmp1, $4  }
0x32: {  	v20 =	vld [tilespmem:s0+$0xFFFFFFD0];
	v23 =	vor.u32 v2, v23;
	v24 =	vshll.u32 v19, $0x5  }
0x33: {  	v19 =	vld [tilespmem:s0+$0x0];
	[tilespmem:s1+$0xFFFFFFD0] =	vst v23;
	v23 =	vshll.u32 v21, $0x5;
	v24 =	vor.u32 v2, v24  }
0x34: {  	v21 =	vld [tilespmem:s0+$0xFFFFFFF0];
	v25 =	vshll.u32 v22, $0x5;
	v26 =	vor.u32 v2, v23;
	[tilespmem:s1+$0x0] =	vst v24  }
0x35: {  	v22 =	vld [tilespmem:s0+$0xFFFFFFE0];
	v23 =	vor.u32 v2, v25;
	[tilespmem:s1+$0xFFFFFFF0] =	vst v26  }
0x36: {  	_ = 	snop  }
0x37: {  	v20 =	vshll.u32 v20, $0x5  }
0x38: {  	[tilespmem:s1+$0xFFFFFFE0] =	vst v23;
	v20 =	vor.u32 v2, v20;
	v19 =	vshll.u32 v19, $0x5  }
0x39: {  	[tilespmem:s0+$0xFFFFFFD0] =	vst v20;
	v20 =	vshll.u32 v21, $0x5;
	v19 =	vor.u32 v2, v19  }
0x3a: {  	v63 =	vshll.u32 v22, $0x5;
	v20 =	vor.u32 v2, v20;
	[tilespmem:s0+$0x0] =	vst v19  }
0x3b: {  	v19 =	vor.u32 v2, v63;
	[tilespmem:s0+$0xFFFFFFF0] =	vst v20  }
0x3c: {  	[tilespmem:s0+$0xFFFFFFE0] =	vst v19;
	s0 =	simm.s32 $0x0  }
.LBB2_6:
0x3d: {  	s1 =	sshra.s32 s0, $0x2  }
0x3e: {  	v19 =	vld [tilespmem:s1+$0x13EA0];
	_ =	sdelay $0x1  }
0x3f: {  	p0 =	sne.s32 s0, $0x40  }
.Ltmp2:
0x40: {  	_ = 	snop;
	(pc) =	sbr.rel @p0 .LBB2_6-.Ltmp2, $4  }
0x41: {  	_ = 	snop  }
0x42: {  	v19 =	vshll.u32 v19, $0x5  }
0x43: {  	v19 =	vor.u32 v2, v19  }
0x44: {  	s0 =	sadd.s32 $0x40, s0;
	[tilespmem:s1+$0x13EA0] =	vst v19  }
0x45: {  	[tilespmem:s14], [sflag:$0x5] =	stream.indirect.gather [hbm4b:s2+s8], $0x8, s13, s8, $0xb8;
	[tilespmem:$0x19000] =	vst v63  }
0x46: {  	s29 =	simm.s32 $0x0  }
.LBB2_8:
0x47: {  	_ =	swait.ge [sflag:s15], $0x960  }
0x48: {  	[sflag:s15] =	ssyncset.done $0x0  }
0x49: {  	s1 =	simm.s32 $0x14530;
	[sflag:s15] =	ssyncadd.s32 $0xFFFFF6A0  }
0x4a: {  	v19 =	vld [tilespmem:s1+$0xFFFFFFD0]  }
0x4b: {  	v21 =	vld [tilespmem:s1+$0x0]  }
0x4c: {  	v22 =	vld [tilespmem:s1+$0xFFFFFFF0]  }
0x4d: {  	v23 =	vld [tilespmem:s1+$0xFFFFFFE0];
	_ =	sdelay $0x1  }
0x4e: {  	s0 =	simm.s32 $0x14570;
	v19 =	vshll.u32 v19, $0x5  }
0x4f: {  	v20 =	vld [tilespmem:s0+$0xFFFFFFD0];
	v21 =	vshll.u32 v21, $0x5;
	v24 =	vor.u32 v2, v19  }
0x50: {  	v22 =	vshll.u32 v22, $0x5;
	v19 =	vld [tilespmem:s0+$0x0];
	v63 =	vor.u32 v2, v21;
	[tilespmem:s1+$0xFFFFFFD0] =	vst v24  }
0x51: {  	v23 =	vshll.u32 v23, $0x5;
	v21 =	vld [tilespmem:s0+$0xFFFFFFF0];
	v25 =	vor.u32 v2, v22;
	[tilespmem:s1+$0x0] =	vst v63  }
0x52: {  	s10 =	simm.s32 $0x4;
	v22 =	vld [tilespmem:s0+$0xFFFFFFE0];
	v23 =	vor.u32 v2, v23;
	[tilespmem:s1+$0xFFFFFFF0] =	vst v25  }
.LBB2_9:
0x53: {  	s10 =	sadd.s32 $0x4, s10  }
0x54: {  	[tilespmem:s1+$0xFFFFFFE0] =	vst v23;
	s1 =	smov.u32 s0;
	p0 =	slt.u32 s10, $0x2C  }
.Ltmp3:
0x55: {  	s0 =	sadd.s32 $0x40, s0;
	v23 =	vshll.u32 v20, $0x5;
	(pc) =	sbr.rel @p0 .LBB2_9-.Ltmp3, $4  }
0x56: {  	v20 =	vld [tilespmem:s0+$0xFFFFFFD0];
	v23 =	vor.u32 v2, v23;
	v24 =	vshll.u32 v19, $0x5  }
0x57: {  	v19 =	vld [tilespmem:s0+$0x0];
	[tilespmem:s1+$0xFFFFFFD0] =	vst v23;
	v23 =	vshll.u32 v21, $0x5;
	v24 =	vor.u32 v2, v24  }
0x58: {  	v21 =	vld [tilespmem:s0+$0xFFFFFFF0];
	v25 =	vshll.u32 v22, $0x5;
	v26 =	vor.u32 v2, v23;
	[tilespmem:s1+$0x0] =	vst v24  }
0x59: {  	v22 =	vld [tilespmem:s0+$0xFFFFFFE0];
	v23 =	vor.u32 v2, v25;
	[tilespmem:s1+$0xFFFFFFF0] =	vst v26  }
0x5a: {  	_ = 	snop  }
0x5b: {  	v20 =	vshll.u32 v20, $0x5  }
0x5c: {  	[tilespmem:s1+$0xFFFFFFE0] =	vst v23;
	v20 =	vor.u32 v2, v20;
	v19 =	vshll.u32 v19, $0x5  }
0x5d: {  	[tilespmem:s0+$0xFFFFFFD0] =	vst v20;
	v20 =	vshll.u32 v21, $0x5;
	v19 =	vor.u32 v2, v19  }
0x5e: {  	v63 =	vshll.u32 v22, $0x5;
	v20 =	vor.u32 v2, v20;
	[tilespmem:s0+$0x0] =	vst v19  }
0x5f: {  	v19 =	vor.u32 v2, v63;
	[tilespmem:s0+$0xFFFFFFF0] =	vst v20  }
0x60: {  	[tilespmem:s0+$0xFFFFFFE0] =	vst v19;
	s0 =	simm.s32 $0x0  }
.LBB2_11:
0x61: {  	s1 =	sshra.s32 s0, $0x2  }
0x62: {  	v19 =	vld [tilespmem:s1+$0x14800];
	_ =	sdelay $0x1  }
0x63: {  	p0 =	sne.s32 s0, $0x40  }
.Ltmp4:
0x64: {  	_ = 	snop;
	(pc) =	sbr.rel @p0 .LBB2_11-.Ltmp4, $4  }
0x65: {  	_ = 	snop  }
0x66: {  	v19 =	vshll.u32 v19, $0x5  }
0x67: {  	v19 =	vor.u32 v2, v19  }
0x68: {  	s0 =	sadd.s32 $0x40, s0;
	[tilespmem:s1+$0x14800] =	vst v19  }
0x69: {  	[tilespmem:s17], [sflag:$0x6] =	stream.indirect.gather [hbm4b:s2+s8], $0x8, s16, s8, $0xb8;
	[tilespmem:$0x19000] =	vst v63  }
0x6a: {  	s31 =	smul.u32 $0xC80, s29  }
0x6b: {  	s5 =	simm.s32 $0x10;
	s1 =	simm.s32 $0x0  }
0x6c: {  	_ =	swait.ge [sflag:s18], $0x1900;
	v19 =	vmov s5;
	v20 =	vmov s1;
	s0 =	sshrl.u32 s31, $0x3  }
0x6d: {  	[sflag:s18] =	ssyncset.done $0x0;
	v21 =	vshll.u32 v19, $0x3;
	v19 =	vshll.u32 v20, $0x3;
	s30 =	sadd.s32 s4, s0  }
0x6e: {  	[sflag:s18] =	ssyncadd.s32 $0xFFFFE700;
	v20 =	vor.u32 v1, v21;
	v22 =	vor.u32 v6, v21;
	v23 =	vor.u32 v1, v19;
	s10 =	sadd.s32 $0xC8, s30  }
0x6f: {  	v24 =	vor.u32 v7, v19;
	v25 =	vor.u32 v10, v19;
	v26 =	vor.u32 v9, v19;
	[tilespmem:s19], [sflag:$0x3] =	stream.strided.gather [hbm4b:s10+s8], $0x960, s9, s8, $0x38;
	[tilespmem:$0x19000] =	vst v63  }
0x70: {  	v29 =	vor.u32 v8, v19;
	v32 =	vor.u32 v9, v21;
	v34 =	vor.u32 v8, v21;
	s10 =	simm.s32 $0x13ED0  }
0x71: {  	v36 =	vor.u32 v10, v21;
	v38 =	vor.u32 v5, v21;
	v27 =	vor.u32 v11, v23;
	v28 =	vld [tilespmem:s10+$0xFFFFFFF0]  }
0x72: {  	v23 =	vor.u32 v5, v19;
	v31 =	vor.u32 v11, v26;
	v20 =	vor.u32 v11, v20  }
0x73: {  	v26 =	vor.u32 v6, v19;
	v29 =	vor.u32 v11, v29;
	v24 =	vor.u32 v11, v24;
	v30 =	vld [tilespmem:s10+$0xFFFFF9C0]  }
0x74: {  	v19 =	vor.u32 v4, v19;
	v36 =	vor.u32 v11, v36;
	v32 =	vor.u32 v11, v32;
	v33 =	vld [tilespmem:s10+$0xFFFFF9B0]  }
0x75: {  	v38 =	vor.u32 v11, v38;
	v26 =	vor.u32 v11, v26;
	v23 =	vor.u32 v11, v23  }
0x76: {  	v35 =	vor.u32 v11, v19;
	v19 =	vperm.xlane v28, v12;
	v39 =	vperm.xlane v28, v14  }
0x77: {  	v42 =	vld.idx.msk [tilespmem:v20+s14+$0x0], $0xffff;
	v20 =	vor.u32 v7, v21;
	v41 =	vperm.xlane v28, v13;
	v46 =	vperm.xlane v28, v15  }
0x78: {  	v30 =	vshll.u32 v30, $0x3;
	v48 =	vperm.xlane v28, v16;
	v57 =	vperm.xlane v28, v18  }
0x79: {  	v29 =	vld.idx.msk [tilespmem:v29+s14+$0x0], $0xffff;
	v33 =	vshll.u32 v33, $0x3;
	v37 =	vperm.xlane v30, v14;
	v40 =	vperm.xlane v30, v17  }
0x7a: {  	v47 =	vld.idx.msk [tilespmem:v24+s14+$0x0], $0xffff;
	v24 =	vor.u32 v11, v34;
	v43 =	vperm.xlane v30, v0;
	v45 =	vperm.xlane v33, v13  }
0x7b: {  	v60 =	vld.idx.msk [tilespmem:v32+s14+$0x0], $0xffff;
	v44 =	vor.u32 v11, v20;
	v34 =	vperm.xlane v33, v12;
	v20 =	vperm.xlane v30, v12  }
0x7c: {  	v58 =	vor.u32 v11, v25;
	v35 =	vld.idx.msk [tilespmem:v35+s14+$0x0], $0xffff;
	v49 =	vperm.xlane v33, v16;
	v52 =	vperm.xlane v33, v0  }
0x7d: {  	v21 =	vor.u32 v4, v21;
	v50 =	vld.idx.msk [tilespmem:v26+s14+$0x0], $0xffff;
	v53 =	vperm.xlane v33, v18;
	v26 =	vperm.xlane v33, v14  }
0x7e: {  	v51 =	vor.u32 v11, v21;
	v55 =	vld.idx.msk [tilespmem:v23+s14+$0x0], $0xffff;
	v54 =	vperm.xlane v30, v13;
	v56 =	vperm.xlane v33, v17  }
0x7f: {  	v23 =	vld.idx.msk [tilespmem:v36+s14+$0x0], $0xffff;
	v36 =	vor.u32 v11, v22;
	v59 =	vperm.xlane v33, v15;
	v33 =	vperm.xlane v30, v15  }
0x80: {  	v21 =	vld [tilespmem:s10+$0x0];
	v62 =	vperm.xlane v30, v16;
	v20 =	vadd.s32 v11, v20;
	v32 =	vadd.s32 v11, v26  }
0x81: {  	v63 =	vld.idx.msk [tilespmem:v38+s14+$0x0], $0xffff;
	v25 =	vadd.s32 v11, v54;
	v54 =	vperm.xlane v28, v0;
	v22 =	vadd.s32 v11, v37  }
0x82: {  	v29 =	vmul.f32 v29, v39;
	v39 =	vld.idx.msk [tilespmem:v31+s14+$0x0], $0xffff;
	v45 =	vadd.s32 v11, v45;
	v46 =	vmul.f32 v47, v46  }
0x83: {  	v47 =	vadd.s32 v11, v56;
	v49 =	vadd.s32 v11, v49;
	v38 =	vadd.s32 v11, v53;
	v44 =	vld.idx.msk [tilespmem:v44+s14+$0x0], $0xffff  }
0x84: {  	v34 =	vadd.s32 v11, v34;
	v26 =	vmul.f32 v35, v57;
	v57 =	vperm.xlane v30, v18;
	v35 =	vld.idx.msk [tilespmem:v24+s14+$0x0], $0xffff  }
0x85: {  	v37 =	vperm.xlane v21, v14;
	v61 =	vperm.xlane v21, v15;
	v24 =	vld.idx.msk [tilespmem:v51+s14+$0x0], $0xffff;
	v30 =	vadd.s32 v11, v33  }
0x86: {  	v48 =	vmul.f32 v50, v48;
	v33 =	vld.idx.msk [tilespmem:v58+s14+$0x0], $0xffff;
	v50 =	vadd.s32 v11, v59;
	v59 =	vperm.xlane v21, v17  }
0x87: {  	v31 =	vperm.xlane v21, v12;
	[tilespmem:v32+s3+$0x0] =	vst.idx.add.f32.msk $0xffff, v29;
	v29 =	vperm.xlane v28, v17  }
0x88: {  	v58 =	vperm.xlane v21, v0;
	v63 =	vmul.f32 v63, v59;
	v32 =	vadd.s32 v11, v43;
	v43 =	vld.idx.msk [tilespmem:v27+s14+$0x0], $0xffff  }
0x89: {  	[tilespmem:v49+s3+$0x0] =	vst.idx.add.f32.msk $0xffff, v48;
	v29 =	vmul.f32 v55, v29;
	v55 =	vadd.s32 v11, v40  }
0x8a: {  	v28 =	vadd.s32 v11, v62;
	v39 =	vmul.f32 v39, v41;
	v27 =	vmul.f32 v35, v37;
	v37 =	vld.idx.msk [tilespmem:v36+s14+$0x0], $0xffff  }
0x8b: {  	v62 =	vperm.xlane v21, v13;
	v41 =	vperm.xlane v21, v16;
	[tilespmem:v50+s3+$0x0] =	vst.idx.add.f32.msk $0xffff, v46  }
0x8c: {  	v35 =	vadd.s32 v11, v52;
	v36 =	vmul.f32 v42, v58;
	[tilespmem:v45+s3+$0x0] =	vst.idx.add.f32.msk $0xffff, v39  }
0x8d: {  	v39 =	vmul.f32 v44, v61;
	v42 =	vmul.f32 v60, v62;
	[tilespmem:v47+s3+$0x0] =	vst.idx.add.f32.msk $0xffff, v29  }
0x8e: {  	s1 =	simm.s32 $0x0;
	s0 =	simm.s32 $0x13EF0;
	s10 =	simm.s32 $0x30;
	v29 =	vadd.s32 v11, v57;
	v40 =	vmul.f32 v43, v54;
	[tilespmem:v55+s3+$0x0] =	vst.idx.add.f32.msk $0xffff, v63  }
.LBB2_13:
0x8f: {  	s5 =	sadd.s32 $0xFFFFFFF0, s10;
	v43 =	vmov s10;
	s1 =	sadd.s32 $0x2, s1;
	v19 =	vmul.f32 v33, v19;
	[tilespmem:v38+s3+$0x0] =	vst.idx.add.f32.msk $0xffff, v26;
	v23 =	vmul.f32 v23, v31  }
0x90: {  	v26 =	vmov s5;
	v31 =	vshll.u32 v43, $0x3;
	p0 =	slt.u32 s1, $0x30;
	[tilespmem:v25+s3+$0x0] =	vst.idx.add.f32.msk $0xffff, v42;
	v25 =	vmul.f32 v37, v41  }
0x91: {  	v26 =	vshll.u32 v26, $0x3;
	v33 =	vor.u32 v1, v31;
	v37 =	vor.u32 v6, v31;
	[tilespmem:v35+s3+$0x0] =	vst.idx.add.f32.msk $0xffff, v40  }
0x92: {  	v35 =	vor.u32 v1, v26;
	v38 =	vor.u32 v7, v26;
	[tilespmem:v30+s3+$0x0] =	vst.idx.add.f32.msk $0xffff, v39  }
0x93: {  	v30 =	vor.u32 v5, v26;
	v35 =	vor.u32 v11, v35;
	[tilespmem:v32+s3+$0x0] =	vst.idx.add.f32.msk $0xffff, v36  }
0x94: {  	v21 =	vperm.xlane v21, v18;
	v39 =	vor.u32 v9, v26;
	v36 =	vor.u32 v10, v26;
	v32 =	vld [tilespmem:s0+$0xFFFFFFF0]  }
0x95: {  	v40 =	vor.u32 v8, v26;
	v41 =	vor.u32 v6, v26;
	v39 =	vor.u32 v11, v39;
	v42 =	vld [tilespmem:s0+$0xFFFFF9C0]  }
0x96: {  	v43 =	vor.u32 v9, v31;
	v40 =	vor.u32 v11, v40;
	[tilespmem:v20+s3+$0x0] =	vst.idx.add.f32.msk $0xffff, v23  }
0x97: {  	v20 =	vor.u32 v11, v38;
	v23 =	vor.u32 v11, v33;
	[tilespmem:v28+s3+$0x0] =	vst.idx.add.f32.msk $0xffff, v25  }
0x98: {  	v21 =	vmul.f32 v24, v21;
	v33 =	vor.u32 v8, v31;
	v28 =	vor.u32 v11, v41;
	v25 =	vld [tilespmem:s0+$0xFFFFF9B0]  }
0x99: {  	v24 =	vor.u32 v11, v30;
	v26 =	vor.u32 v4, v26;
	[tilespmem:v34+s3+$0x0] =	vst.idx.add.f32.msk $0xffff, v19  }
0x9a: {  	v26 =	vor.u32 v11, v26;
	v34 =	vor.u32 v10, v31;
	v30 =	vshll.u32 v42, $0x3;
	[tilespmem:v22+s3+$0x0] =	vst.idx.add.f32.msk $0xffff, v27  }
0x9b: {  	v19 =	vperm.xlane v32, v12;
	v22 =	vor.u32 v11, v34;
	[tilespmem:v29+s3+$0x0] =	vst.idx.add.f32.msk $0xffff, v21  }
0x9c: {  	v27 =	vperm.xlane v30, v14;
	v29 =	vor.u32 v5, v31;
	v34 =	vld.idx.msk [tilespmem:v23+s14+$0x0], $0xffff  }
0x9d: {  	v38 =	vperm.xlane v32, v14;
	v21 =	vor.u32 v11, v43;
	v41 =	vperm.xlane v30, v17;
	v40 =	vld.idx.msk [tilespmem:v40+s14+$0x0], $0xffff  }
0x9e: {  	v42 =	vperm.xlane v32, v13;
	v44 =	vperm.xlane v30, v0;
	v43 =	vld.idx.msk [tilespmem:v20+s14+$0x0], $0xffff;
	v20 =	vor.u32 v7, v31  }
0x9f: {  	v25 =	vshll.u32 v25, $0x3;
	v28 =	vld.idx.msk [tilespmem:v28+s14+$0x0], $0xffff;
	v45 =	vor.u32 v11, v20  }
0xa0: {  	v47 =	vperm.xlane v32, v15;
	v46 =	vperm.xlane v25, v13;
	v48 =	vld.idx.msk [tilespmem:v24+s14+$0x0], $0xffff;
	v24 =	vor.u32 v11, v33  }
0xa1: {  	v49 =	vperm.xlane v25, v12;
	v31 =	vor.u32 v4, v31;
	v20 =	vperm.xlane v30, v12;
	v26 =	vld.idx.msk [tilespmem:v26+s14+$0x0], $0xffff  }
0xa2: {  	v50 =	vperm.xlane v32, v16;
	v51 =	vperm.xlane v25, v16;
	v31 =	vor.u32 v11, v31;
	v23 =	vld.idx.msk [tilespmem:v22+s14+$0x0], $0xffff  }
0xa3: {  	v52 =	vperm.xlane v25, v0;
	v53 =	vperm.xlane v25, v18;
	v20 =	vadd.s32 v11, v20;
	v54 =	vld.idx.msk [tilespmem:v21+s14+$0x0], $0xffff  }
0xa4: {  	v29 =	vor.u32 v11, v29;
	v33 =	vperm.xlane v30, v13;
	v22 =	vperm.xlane v25, v14;
	v21 =	vld [tilespmem:s0+$0x0]  }
0xa5: {  	v37 =	vor.u32 v11, v37;
	v56 =	vperm.xlane v32, v18;
	v55 =	vperm.xlane v25, v17;
	v45 =	vld.idx.msk [tilespmem:v45+s14+$0x0], $0xffff  }
0xa6: {  	v36 =	vor.u32 v11, v36;
	v57 =	vperm.xlane v25, v15;
	v25 =	vadd.s32 v11, v33;
	v58 =	vld.idx.msk [tilespmem:v24+s14+$0x0], $0xffff  }
0xa7: {  	v59 =	vadd.s32 v11, v22;
	v26 =	vmul.f32 v26, v56;
	v56 =	vperm.xlane v30, v18  }
0xa8: {  	v60 =	vperm.xlane v32, v0;
	v22 =	vadd.s32 v11, v27;
	v27 =	vperm.xlane v30, v15;
	v24 =	vld.idx.msk [tilespmem:v31+s14+$0x0], $0xffff  }
0xa9: {  	v38 =	vmul.f32 v40, v38;
	v39 =	vld.idx.msk [tilespmem:v39+s14+$0x0], $0xffff;
	v40 =	vperm.xlane v21, v14  }
0xaa: {  	v62 =	vperm.xlane v30, v16;
	v46 =	vadd.s32 v11, v46;
	v61 =	vperm.xlane v21, v15;
	v63 =	vld.idx.msk [tilespmem:v29+s14+$0x0], $0xffff  }
0xab: {  	v43 =	vmul.f32 v43, v47;
	v31 =	vperm.xlane v21, v12;
	v29 =	vadd.s32 v11, v55;
	v33 =	vld.idx.msk [tilespmem:v36+s14+$0x0], $0xffff  }
0xac: {  	v32 =	vperm.xlane v32, v17;
	v30 =	vadd.s32 v11, v27;
	[tilespmem:v59+s3+$0x0] =	vst.idx.add.f32.msk $0xffff, v38  }
0xad: {  	v47 =	vadd.s32 v11, v51;
	v50 =	vmul.f32 v28, v50;
	v28 =	vadd.s32 v11, v62  }
0xae: {  	v55 =	vadd.s32 v11, v57;
	v36 =	vmul.f32 v48, v32;
	v32 =	vadd.s32 v11, v44;
	v51 =	vld.idx.msk [tilespmem:v35+s14+$0x0], $0xffff  }
0xaf: {  	v27 =	vmul.f32 v58, v40;
	v44 =	vadd.s32 v11, v41;
	v39 =	vmul.f32 v39, v42  }
0xb0: {  	v35 =	vadd.s32 v11, v52;
	[tilespmem:v29+s3+$0x0] =	vst.idx.add.f32.msk $0xffff, v36;
	v36 =	vperm.xlane v21, v0  }
.Ltmp5:
0xb1: {  	v40 =	vperm.xlane v21, v17;
	v38 =	vadd.s32 v11, v53;
	v29 =	vadd.s32 v11, v56;
	v37 =	vld.idx.msk [tilespmem:v37+s14+$0x0], $0xffff;
	(pc) =	sbr.rel @p0 .LBB2_13-.Ltmp5, $4  }
0xb2: {  	v41 =	vperm.xlane v21, v13;
	[tilespmem:v46+s3+$0x0] =	vst.idx.add.f32.msk $0xffff, v39;
	v36 =	vmul.f32 v34, v36  }
0xb3: {  	v34 =	vadd.s32 v11, v49;
	v46 =	vmul.f32 v63, v40;
	[tilespmem:v47+s3+$0x0] =	vst.idx.add.f32.msk $0xffff, v50  }
0xb4: {  	v39 =	vmul.f32 v45, v61;
	v40 =	vmul.f32 v51, v60;
	[tilespmem:v55+s3+$0x0] =	vst.idx.add.f32.msk $0xffff, v43  }
0xb5: {  	s10 =	sadd.s32 $0x20, s10;
	s0 =	sadd.s32 $0x20, s0;
	v42 =	vmul.f32 v54, v41;
	v41 =	vperm.xlane v21, v16;
	[tilespmem:v44+s3+$0x0] =	vst.idx.add.f32.msk $0xffff, v46  }
0xb6: {  	_ =	sdelay $0x3  }
0xb7: {  	[tilespmem:v38+s3+$0x0] =	vst.idx.add.f32.msk $0xffff, v26  }
0xb8: {  	[tilespmem:v35+s3+$0x0] =	vst.idx.add.f32.msk $0xffff, v40  }
0xb9: {  	[tilespmem:v30+s3+$0x0] =	vst.idx.add.f32.msk $0xffff, v39  }
0xba: {  	[tilespmem:v32+s3+$0x0] =	vst.idx.add.f32.msk $0xffff, v36  }
0xbb: {  	v23 =	vmul.f32 v23, v31;
	[tilespmem:v22+s3+$0x0] =	vst.idx.add.f32.msk $0xffff, v27  }
0xbc: {  	v19 =	vmul.f32 v33, v19;
	v21 =	vperm.xlane v21, v18;
	[tilespmem:v25+s3+$0x0] =	vst.idx.add.f32.msk $0xffff, v42  }
0xbd: {  	v60 =	vmul.f32 v37, v41;
	[tilespmem:v20+s3+$0x0] =	vst.idx.add.f32.msk $0xffff, v23  }
0xbe: {  	v20 =	vmul.f32 v24, v21;
	[tilespmem:v34+s3+$0x0] =	vst.idx.add.f32.msk $0xffff, v19  }
0xbf: {  	[tilespmem:v28+s3+$0x0] =	vst.idx.add.f32.msk $0xffff, v60  }
0xc0: {  	[tilespmem:v29+s3+$0x0] =	vst.idx.add.f32.msk $0xffff, v20  }
0xc1: {  	_ =	swait.ge [sflag:s20], $0x960  }
0xc2: {  	[sflag:s20] =	ssyncset.done $0x0  }
0xc3: {  	s1 =	simm.s32 $0x14E90;
	[sflag:s20] =	ssyncadd.s32 $0xFFFFF6A0  }
0xc4: {  	v19 =	vld [tilespmem:s1+$0xFFFFFFD0]  }
0xc5: {  	v21 =	vld [tilespmem:s1+$0x0]  }
0xc6: {  	v22 =	vld [tilespmem:s1+$0xFFFFFFF0]  }
0xc7: {  	v23 =	vld [tilespmem:s1+$0xFFFFFFE0];
	_ =	sdelay $0x1  }
0xc8: {  	s0 =	simm.s32 $0x14ED0;
	v19 =	vshll.u32 v19, $0x5  }
0xc9: {  	v20 =	vld [tilespmem:s0+$0xFFFFFFD0];
	v21 =	vshll.u32 v21, $0x5;
	v61 =	vor.u32 v2, v19  }
0xca: {  	v22 =	vshll.u32 v22, $0x5;
	v19 =	vld [tilespmem:s0+$0x0];
	v62 =	vor.u32 v2, v21;
	[tilespmem:s1+$0xFFFFFFD0] =	vst v61  }
0xcb: {  	v23 =	vshll.u32 v23, $0x5;
	v21 =	vld [tilespmem:s0+$0xFFFFFFF0];
	v63 =	vor.u32 v2, v22;
	[tilespmem:s1+$0x0] =	vst v62  }
0xcc: {  	s10 =	simm.s32 $0x4;
	v22 =	vld [tilespmem:s0+$0xFFFFFFE0];
	v23 =	vor.u32 v2, v23;
	[tilespmem:s1+$0xFFFFFFF0] =	vst v63  }
.LBB2_15:
0xcd: {  	s10 =	sadd.s32 $0x4, s10  }
0xce: {  	[tilespmem:s1+$0xFFFFFFE0] =	vst v23;
	s1 =	smov.u32 s0;
	p0 =	slt.u32 s10, $0x2C  }
.Ltmp6:
0xcf: {  	s0 =	sadd.s32 $0x40, s0;
	v23 =	vshll.u32 v20, $0x5;
	(pc) =	sbr.rel @p0 .LBB2_15-.Ltmp6, $4  }
0xd0: {  	v20 =	vld [tilespmem:s0+$0xFFFFFFD0];
	v23 =	vor.u32 v2, v23;
	v24 =	vshll.u32 v19, $0x5  }
0xd1: {  	v19 =	vld [tilespmem:s0+$0x0];
	[tilespmem:s1+$0xFFFFFFD0] =	vst v23;
	v23 =	vshll.u32 v21, $0x5;
	v24 =	vor.u32 v2, v24  }
0xd2: {  	v21 =	vld [tilespmem:s0+$0xFFFFFFF0];
	v25 =	vshll.u32 v22, $0x5;
	v26 =	vor.u32 v2, v23;
	[tilespmem:s1+$0x0] =	vst v24  }
0xd3: {  	v22 =	vld [tilespmem:s0+$0xFFFFFFE0];
	v23 =	vor.u32 v2, v25;
	[tilespmem:s1+$0xFFFFFFF0] =	vst v26  }
0xd4: {  	_ = 	snop  }
0xd5: {  	v20 =	vshll.u32 v20, $0x5  }
0xd6: {  	[tilespmem:s1+$0xFFFFFFE0] =	vst v23;
	v20 =	vor.u32 v2, v20;
	v19 =	vshll.u32 v19, $0x5  }
0xd7: {  	[tilespmem:s0+$0xFFFFFFD0] =	vst v20;
	v20 =	vshll.u32 v21, $0x5;
	v19 =	vor.u32 v2, v19  }
0xd8: {  	v63 =	vshll.u32 v22, $0x5;
	v20 =	vor.u32 v2, v20;
	[tilespmem:s0+$0x0] =	vst v19  }
0xd9: {  	v19 =	vor.u32 v2, v63;
	[tilespmem:s0+$0xFFFFFFF0] =	vst v20  }
0xda: {  	[tilespmem:s0+$0xFFFFFFE0] =	vst v19;
	s0 =	simm.s32 $0x0  }
.LBB2_17:
0xdb: {  	s1 =	sshra.s32 s0, $0x2  }
0xdc: {  	v19 =	vld [tilespmem:s1+$0x15160];
	_ =	sdelay $0x1  }
0xdd: {  	p0 =	sne.s32 s0, $0x40  }
.Ltmp7:
0xde: {  	_ = 	snop;
	(pc) =	sbr.rel @p0 .LBB2_17-.Ltmp7, $4  }
0xdf: {  	_ = 	snop  }
0xe0: {  	v19 =	vshll.u32 v19, $0x5  }
0xe1: {  	v19 =	vor.u32 v2, v19  }
0xe2: {  	s0 =	sadd.s32 $0x40, s0;
	[tilespmem:s1+$0x15160] =	vst v19  }
0xe3: {  	s0 =	simm.s32 $0x10;
	s1 =	simm.s32 $0x0  }
0xe4: {  	[tilespmem:s14], [sflag:$0x5] =	stream.indirect.gather [hbm4b:s2+s8], $0x8, s21, s8, $0xb8;
	v19 =	vmov s0;
	v20 =	vmov s1;
	[tilespmem:$0x19000] =	vst v63  }
0xe5: {  	_ =	swait.ge [sflag:s22], $0x1900;
	v21 =	vshll.u32 v19, $0x3;
	v19 =	vshll.u32 v20, $0x3  }
0xe6: {  	[sflag:s22] =	ssyncset.done $0x0;
	v20 =	vor.u32 v1, v21;
	v22 =	vor.u32 v6, v21;
	v23 =	vor.u32 v1, v19  }
0xe7: {  	s5 =	sadd.s32 $0x12C, s30;
	s10 =	simm.s32 $0x14830;
	[sflag:s22] =	ssyncadd.s32 $0xFFFFE700;
	v24 =	vor.u32 v7, v19;
	v25 =	vor.u32 v10, v19;
	v26 =	vor.u32 v9, v19  }
0xe8: {  	v29 =	vor.u32 v8, v19;
	v32 =	vor.u32 v9, v21;
	v34 =	vor.u32 v8, v21;
	[tilespmem:s23], [sflag:$0x4] =	stream.strided.gather [hbm4b:s5+s8], $0x960, s9, s8, $0x38;
	[tilespmem:$0x19000] =	vst v63  }
0xe9: {  	v36 =	vor.u32 v10, v21;
	v38 =	vor.u32 v5, v21;
	v27 =	vor.u32 v11, v23;
	v28 =	vld [tilespmem:s10+$0xFFFFFFF0]  }
0xea: {  	v23 =	vor.u32 v5, v19;
	v31 =	vor.u32 v11, v26;
	v20 =	vor.u32 v11, v20  }
0xeb: {  	v26 =	vor.u32 v6, v19;
	v29 =	vor.u32 v11, v29;
	v24 =	vor.u32 v11, v24;
	v30 =	vld [tilespmem:s10+$0xFFFFF9C0]  }
0xec: {  	v19 =	vor.u32 v4, v19;
	v36 =	vor.u32 v11, v36;
	v32 =	vor.u32 v11, v32;
	v33 =	vld [tilespmem:s10+$0xFFFFF9B0]  }
0xed: {  	v38 =	vor.u32 v11, v38;
	v26 =	vor.u32 v11, v26;
	v23 =	vor.u32 v11, v23  }
0xee: {  	v35 =	vor.u32 v11, v19;
	v19 =	vperm.xlane v28, v12;
	v39 =	vperm.xlane v28, v14  }
0xef: {  	v42 =	vld.idx.msk [tilespmem:v20+s17+$0x0], $0xffff;
	v20 =	vor.u32 v7, v21;
	v41 =	vperm.xlane v28, v13;
	v46 =	vperm.xlane v28, v15  }
0xf0: {  	v30 =	vshll.u32 v30, $0x3;
	v48 =	vperm.xlane v28, v16;
	v57 =	vperm.xlane v28, v18  }
0xf1: {  	v29 =	vld.idx.msk [tilespmem:v29+s17+$0x0], $0xffff;
	v33 =	vshll.u32 v33, $0x3;
	v37 =	vperm.xlane v30, v14;
	v40 =	vperm.xlane v30, v17  }
0xf2: {  	v47 =	vld.idx.msk [tilespmem:v24+s17+$0x0], $0xffff;
	v24 =	vor.u32 v11, v34;
	v43 =	vperm.xlane v30, v0;
	v45 =	vperm.xlane v33, v13  }
0xf3: {  	v60 =	vld.idx.msk [tilespmem:v32+s17+$0x0], $0xffff;
	v44 =	vor.u32 v11, v20;
	v34 =	vperm.xlane v33, v12;
	v20 =	vperm.xlane v30, v12  }
0xf4: {  	v58 =	vor.u32 v11, v25;
	v35 =	vld.idx.msk [tilespmem:v35+s17+$0x0], $0xffff;
	v49 =	vperm.xlane v33, v16;
	v52 =	vperm.xlane v33, v0  }
0xf5: {  	v21 =	vor.u32 v4, v21;
	v50 =	vld.idx.msk [tilespmem:v26+s17+$0x0], $0xffff;
	v53 =	vperm.xlane v33, v18;
	v26 =	vperm.xlane v33, v14  }
0xf6: {  	v51 =	vor.u32 v11, v21;
	v55 =	vld.idx.msk [tilespmem:v23+s17+$0x0], $0xffff;
	v54 =	vperm.xlane v30, v13;
	v56 =	vperm.xlane v33, v17  }
0xf7: {  	v23 =	vld.idx.msk [tilespmem:v36+s17+$0x0], $0xffff;
	v36 =	vor.u32 v11, v22;
	v59 =	vperm.xlane v33, v15;
	v33 =	vperm.xlane v30, v15  }
0xf8: {  	v21 =	vld [tilespmem:s10+$0x0];
	v62 =	vperm.xlane v30, v16;
	v20 =	vadd.s32 v11, v20;
	v32 =	vadd.s32 v11, v26  }
0xf9: {  	v63 =	vld.idx.msk [tilespmem:v38+s17+$0x0], $0xffff;
	v25 =	vadd.s32 v11, v54;
	v54 =	vperm.xlane v28, v0;
	v22 =	vadd.s32 v11, v37  }
0xfa: {  	v45 =	vadd.s32 v11, v45;
	v49 =	vadd.s32 v11, v49;
	v29 =	vmul.f32 v29, v39;
	v39 =	vld.idx.msk [tilespmem:v31+s17+$0x0], $0xffff  }
0xfb: {  	v38 =	vadd.s32 v11, v53;
	v34 =	vadd.s32 v11, v34;
	v46 =	vmul.f32 v47, v46;
	v44 =	vld.idx.msk [tilespmem:v44+s17+$0x0], $0xffff  }
0xfc: {  	v47 =	vadd.s32 v11, v56;
	v26 =	vmul.f32 v35, v57;
	v57 =	vperm.xlane v30, v18;
	v35 =	vld.idx.msk [tilespmem:v24+s17+$0x0], $0xffff  }
0xfd: {  	v37 =	vperm.xlane v21, v14;
	v61 =	vperm.xlane v21, v15;
	v24 =	vld.idx.msk [tilespmem:v51+s17+$0x0], $0xffff;
	v30 =	vadd.s32 v11, v33  }
0xfe: {  	v48 =	vmul.f32 v50, v48;
	v33 =	vld.idx.msk [tilespmem:v58+s17+$0x0], $0xffff;
	v50 =	vadd.s32 v11, v59;
	v59 =	vperm.xlane v21, v17  }
0xff: {  	v31 =	vperm.xlane v21, v12;
	[tilespmem:v32+s3+$0x0] =	vst.idx.add.f32.msk $0xffff, v29;
	v29 =	vperm.xlane v28, v17  }
0x100: {  	v58 =	vperm.xlane v21, v0;
	v63 =	vmul.f32 v63, v59;
	v32 =	vadd.s32 v11, v43;
	v43 =	vld.idx.msk [tilespmem:v27+s17+$0x0], $0xffff  }
0x101: {  	[tilespmem:v49+s3+$0x0] =	vst.idx.add.f32.msk $0xffff, v48;
	v29 =	vmul.f32 v55, v29;
	v55 =	vadd.s32 v11, v40  }
0x102: {  	v28 =	vadd.s32 v11, v62;
	v39 =	vmul.f32 v39, v41;
	v27 =	vmul.f32 v35, v37;
	v37 =	vld.idx.msk [tilespmem:v36+s17+$0x0], $0xffff  }
0x103: {  	v62 =	vperm.xlane v21, v13;
	v41 =	vperm.xlane v21, v16;
	[tilespmem:v50+s3+$0x0] =	vst.idx.add.f32.msk $0xffff, v46  }
0x104: {  	v35 =	vadd.s32 v11, v52;
	v36 =	vmul.f32 v42, v58;
	[tilespmem:v45+s3+$0x0] =	vst.idx.add.f32.msk $0xffff, v39  }
0x105: {  	v42 =	vmul.f32 v60, v62;
	v39 =	vmul.f32 v44, v61;
	[tilespmem:v47+s3+$0x0] =	vst.idx.add.f32.msk $0xffff, v29  }
0x106: {  	s1 =	simm.s32 $0x0;
	s0 =	simm.s32 $0x30;
	s10 =	simm.s32 $0x14850;
	v29 =	vadd.s32 v11, v57;
	v40 =	vmul.f32 v43, v54;
	[tilespmem:v55+s3+$0x0] =	vst.idx.add.f32.msk $0xffff, v63  }
.LBB2_19:
0x107: {  	s5 =	sadd.s32 $0xFFFFFFF0, s0;
	v43 =	vmov s0;
	s1 =	sadd.s32 $0x2, s1;
	v19 =	vmul.f32 v33, v19;
	[tilespmem:v38+s3+$0x0] =	vst.idx.add.f32.msk $0xffff, v26;
	v23 =	vmul.f32 v23, v31  }
0x108: {  	v26 =	vmov s5;
	v31 =	vshll.u32 v43, $0x3;
	p0 =	slt.u32 s1, $0x30;
	[tilespmem:v25+s3+$0x0] =	vst.idx.add.f32.msk $0xffff, v42;
	v25 =	vmul.f32 v37, v41  }
0x109: {  	v26 =	vshll.u32 v26, $0x3;
	v33 =	vor.u32 v1, v31;
	v37 =	vor.u32 v6, v31;
	[tilespmem:v35+s3+$0x0] =	vst.idx.add.f32.msk $0xffff, v40  }
0x10a: {  	v35 =	vor.u32 v1, v26;
	v38 =	vor.u32 v7, v26;
	[tilespmem:v30+s3+$0x0] =	vst.idx.add.f32.msk $0xffff, v39  }
0x10b: {  	v30 =	vor.u32 v5, v26;
	v35 =	vor.u32 v11, v35;
	[tilespmem:v32+s3+$0x0] =	vst.idx.add.f32.msk $0xffff, v36  }
0x10c: {  	v21 =	vperm.xlane v21, v18;
	v39 =	vor.u32 v9, v26;
	v36 =	vor.u32 v10, v26;
	v32 =	vld [tilespmem:s10+$0xFFFFFFF0]  }
0x10d: {  	v40 =	vor.u32 v8, v26;
	v41 =	vor.u32 v6, v26;
	v39 =	vor.u32 v11, v39;
	v42 =	vld [tilespmem:s10+$0xFFFFF9C0]  }
0x10e: {  	v43 =	vor.u32 v9, v31;
	v40 =	vor.u32 v11, v40;
	[tilespmem:v20+s3+$0x0] =	vst.idx.add.f32.msk $0xffff, v23  }
0x10f: {  	v20 =	vor.u32 v11, v38;
	v23 =	vor.u32 v11, v33;
	[tilespmem:v28+s3+$0x0] =	vst.idx.add.f32.msk $0xffff, v25  }
0x110: {  	v21 =	vmul.f32 v24, v21;
	v33 =	vor.u32 v8, v31;
	v28 =	vor.u32 v11, v41;
	v25 =	vld [tilespmem:s10+$0xFFFFF9B0]  }
0x111: {  	v24 =	vor.u32 v11, v30;
	v26 =	vor.u32 v4, v26;
	[tilespmem:v34+s3+$0x0] =	vst.idx.add.f32.msk $0xffff, v19  }
0x112: {  	v26 =	vor.u32 v11, v26;
	v34 =	vor.u32 v10, v31;
	v30 =	vshll.u32 v42, $0x3;
	[tilespmem:v22+s3+$0x0] =	vst.idx.add.f32.msk $0xffff, v27  }
0x113: {  	v19 =	vperm.xlane v32, v12;
	v22 =	vor.u32 v11, v34;
	[tilespmem:v29+s3+$0x0] =	vst.idx.add.f32.msk $0xffff, v21  }
0x114: {  	v27 =	vperm.xlane v30, v14;
	v29 =	vor.u32 v5, v31;
	v34 =	vld.idx.msk [tilespmem:v23+s17+$0x0], $0xffff  }
0x115: {  	v38 =	vperm.xlane v32, v14;
	v21 =	vor.u32 v11, v43;
	v41 =	vperm.xlane v30, v17;
	v40 =	vld.idx.msk [tilespmem:v40+s17+$0x0], $0xffff  }
0x116: {  	v42 =	vperm.xlane v32, v13;
	v44 =	vperm.xlane v30, v0;
	v43 =	vld.idx.msk [tilespmem:v20+s17+$0x0], $0xffff;
	v20 =	vor.u32 v7, v31  }
0x117: {  	v25 =	vshll.u32 v25, $0x3;
	v28 =	vld.idx.msk [tilespmem:v28+s17+$0x0], $0xffff;
	v45 =	vor.u32 v11, v20  }
0x118: {  	v47 =	vperm.xlane v32, v15;
	v46 =	vperm.xlane v25, v13;
	v48 =	vld.idx.msk [tilespmem:v24+s17+$0x0], $0xffff;
	v24 =	vor.u32 v11, v33  }
0x119: {  	v49 =	vperm.xlane v25, v12;
	v31 =	vor.u32 v4, v31;
	v20 =	vperm.xlane v30, v12;
	v26 =	vld.idx.msk [tilespmem:v26+s17+$0x0], $0xffff  }
0x11a: {  	v50 =	vperm.xlane v32, v16;
	v51 =	vperm.xlane v25, v16;
	v31 =	vor.u32 v11, v31;
	v23 =	vld.idx.msk [tilespmem:v22+s17+$0x0], $0xffff  }
0x11b: {  	v52 =	vperm.xlane v25, v0;
	v53 =	vperm.xlane v25, v18;
	v20 =	vadd.s32 v11, v20;
	v54 =	vld.idx.msk [tilespmem:v21+s17+$0x0], $0xffff  }
0x11c: {  	v29 =	vor.u32 v11, v29;
	v33 =	vperm.xlane v30, v13;
	v22 =	vperm.xlane v25, v14;
	v21 =	vld [tilespmem:s10+$0x0]  }
0x11d: {  	v37 =	vor.u32 v11, v37;
	v56 =	vperm.xlane v32, v18;
	v55 =	vperm.xlane v25, v17;
	v45 =	vld.idx.msk [tilespmem:v45+s17+$0x0], $0xffff  }
0x11e: {  	v36 =	vor.u32 v11, v36;
	v57 =	vperm.xlane v25, v15;
	v25 =	vadd.s32 v11, v33;
	v58 =	vld.idx.msk [tilespmem:v24+s17+$0x0], $0xffff  }
0x11f: {  	v59 =	vadd.s32 v11, v22;
	v26 =	vmul.f32 v26, v56;
	v56 =	vperm.xlane v30, v18  }
0x120: {  	v60 =	vperm.xlane v32, v0;
	v22 =	vadd.s32 v11, v27;
	v27 =	vperm.xlane v30, v15;
	v24 =	vld.idx.msk [tilespmem:v31+s17+$0x0], $0xffff  }
0x121: {  	v38 =	vmul.f32 v40, v38;
	v39 =	vld.idx.msk [tilespmem:v39+s17+$0x0], $0xffff;
	v40 =	vperm.xlane v21, v14  }
0x122: {  	v62 =	vperm.xlane v30, v16;
	v46 =	vadd.s32 v11, v46;
	v61 =	vperm.xlane v21, v15;
	v63 =	vld.idx.msk [tilespmem:v29+s17+$0x0], $0xffff  }
0x123: {  	v43 =	vmul.f32 v43, v47;
	v31 =	vperm.xlane v21, v12;
	v29 =	vadd.s32 v11, v55;
	v33 =	vld.idx.msk [tilespmem:v36+s17+$0x0], $0xffff  }
0x124: {  	v32 =	vperm.xlane v32, v17;
	v30 =	vadd.s32 v11, v27;
	[tilespmem:v59+s3+$0x0] =	vst.idx.add.f32.msk $0xffff, v38  }
0x125: {  	v47 =	vadd.s32 v11, v51;
	v50 =	vmul.f32 v28, v50;
	v28 =	vadd.s32 v11, v62  }
0x126: {  	v55 =	vadd.s32 v11, v57;
	v36 =	vmul.f32 v48, v32;
	v32 =	vadd.s32 v11, v44;
	v51 =	vld.idx.msk [tilespmem:v35+s17+$0x0], $0xffff  }
0x127: {  	v27 =	vmul.f32 v58, v40;
	v44 =	vadd.s32 v11, v41;
	v39 =	vmul.f32 v39, v42  }
0x128: {  	v35 =	vadd.s32 v11, v52;
	[tilespmem:v29+s3+$0x0] =	vst.idx.add.f32.msk $0xffff, v36;
	v36 =	vperm.xlane v21, v0  }
.Ltmp8:
0x129: {  	v40 =	vperm.xlane v21, v17;
	v38 =	vadd.s32 v11, v53;
	v29 =	vadd.s32 v11, v56;
	v37 =	vld.idx.msk [tilespmem:v37+s17+$0x0], $0xffff;
	(pc) =	sbr.rel @p0 .LBB2_19-.Ltmp8, $4  }
0x12a: {  	v41 =	vperm.xlane v21, v13;
	[tilespmem:v46+s3+$0x0] =	vst.idx.add.f32.msk $0xffff, v39;
	v36 =	vmul.f32 v34, v36  }
0x12b: {  	v34 =	vadd.s32 v11, v49;
	v46 =	vmul.f32 v63, v40;
	[tilespmem:v47+s3+$0x0] =	vst.idx.add.f32.msk $0xffff, v50  }
0x12c: {  	v39 =	vmul.f32 v45, v61;
	v40 =	vmul.f32 v51, v60;
	[tilespmem:v55+s3+$0x0] =	vst.idx.add.f32.msk $0xffff, v43  }
0x12d: {  	s0 =	sadd.s32 $0x20, s0;
	s10 =	sadd.s32 $0x20, s10;
	v42 =	vmul.f32 v54, v41;
	v41 =	vperm.xlane v21, v16;
	[tilespmem:v44+s3+$0x0] =	vst.idx.add.f32.msk $0xffff, v46  }
0x12e: {  	_ =	sdelay $0x3  }
0x12f: {  	[tilespmem:v38+s3+$0x0] =	vst.idx.add.f32.msk $0xffff, v26  }
0x130: {  	[tilespmem:v35+s3+$0x0] =	vst.idx.add.f32.msk $0xffff, v40  }
0x131: {  	[tilespmem:v30+s3+$0x0] =	vst.idx.add.f32.msk $0xffff, v39  }
0x132: {  	[tilespmem:v32+s3+$0x0] =	vst.idx.add.f32.msk $0xffff, v36  }
0x133: {  	v23 =	vmul.f32 v23, v31;
	[tilespmem:v22+s3+$0x0] =	vst.idx.add.f32.msk $0xffff, v27  }
0x134: {  	v19 =	vmul.f32 v33, v19;
	v21 =	vperm.xlane v21, v18;
	[tilespmem:v25+s3+$0x0] =	vst.idx.add.f32.msk $0xffff, v42  }
0x135: {  	v60 =	vmul.f32 v37, v41;
	[tilespmem:v20+s3+$0x0] =	vst.idx.add.f32.msk $0xffff, v23  }
0x136: {  	v20 =	vmul.f32 v24, v21;
	[tilespmem:v34+s3+$0x0] =	vst.idx.add.f32.msk $0xffff, v19  }
0x137: {  	[tilespmem:v28+s3+$0x0] =	vst.idx.add.f32.msk $0xffff, v60  }
0x138: {  	[tilespmem:v29+s3+$0x0] =	vst.idx.add.f32.msk $0xffff, v20  }
0x139: {  	_ =	swait.ge [sflag:s24], $0x960  }
0x13a: {  	[sflag:s24] =	ssyncset.done $0x0  }
0x13b: {  	s1 =	simm.s32 $0x157F0;
	[sflag:s24] =	ssyncadd.s32 $0xFFFFF6A0  }
0x13c: {  	v19 =	vld [tilespmem:s1+$0xFFFFFFD0]  }
0x13d: {  	v21 =	vld [tilespmem:s1+$0x0]  }
0x13e: {  	v22 =	vld [tilespmem:s1+$0xFFFFFFF0]  }
0x13f: {  	v23 =	vld [tilespmem:s1+$0xFFFFFFE0];
	_ =	sdelay $0x1  }
0x140: {  	s0 =	simm.s32 $0x15830;
	v19 =	vshll.u32 v19, $0x5  }
0x141: {  	v20 =	vld [tilespmem:s0+$0xFFFFFFD0];
	v21 =	vshll.u32 v21, $0x5;
	v61 =	vor.u32 v2, v19  }
0x142: {  	v22 =	vshll.u32 v22, $0x5;
	v19 =	vld [tilespmem:s0+$0x0];
	v62 =	vor.u32 v2, v21;
	[tilespmem:s1+$0xFFFFFFD0] =	vst v61  }
0x143: {  	v23 =	vshll.u32 v23, $0x5;
	v21 =	vld [tilespmem:s0+$0xFFFFFFF0];
	v63 =	vor.u32 v2, v22;
	[tilespmem:s1+$0x0] =	vst v62  }
0x144: {  	s10 =	simm.s32 $0x4;
	v22 =	vld [tilespmem:s0+$0xFFFFFFE0];
	v23 =	vor.u32 v2, v23;
	[tilespmem:s1+$0xFFFFFFF0] =	vst v63  }
.LBB2_21:
0x145: {  	s10 =	sadd.s32 $0x4, s10  }
0x146: {  	[tilespmem:s1+$0xFFFFFFE0] =	vst v23;
	s1 =	smov.u32 s0;
	p0 =	slt.u32 s10, $0x2C  }
.Ltmp9:
0x147: {  	s0 =	sadd.s32 $0x40, s0;
	v23 =	vshll.u32 v20, $0x5;
	(pc) =	sbr.rel @p0 .LBB2_21-.Ltmp9, $4  }
0x148: {  	v20 =	vld [tilespmem:s0+$0xFFFFFFD0];
	v23 =	vor.u32 v2, v23;
	v24 =	vshll.u32 v19, $0x5  }
0x149: {  	v19 =	vld [tilespmem:s0+$0x0];
	[tilespmem:s1+$0xFFFFFFD0] =	vst v23;
	v23 =	vshll.u32 v21, $0x5;
	v24 =	vor.u32 v2, v24  }
0x14a: {  	v21 =	vld [tilespmem:s0+$0xFFFFFFF0];
	v25 =	vshll.u32 v22, $0x5;
	v26 =	vor.u32 v2, v23;
	[tilespmem:s1+$0x0] =	vst v24  }
0x14b: {  	v22 =	vld [tilespmem:s0+$0xFFFFFFE0];
	v23 =	vor.u32 v2, v25;
	[tilespmem:s1+$0xFFFFFFF0] =	vst v26  }
0x14c: {  	_ = 	snop  }
0x14d: {  	v20 =	vshll.u32 v20, $0x5  }
0x14e: {  	[tilespmem:s1+$0xFFFFFFE0] =	vst v23;
	v20 =	vor.u32 v2, v20;
	v19 =	vshll.u32 v19, $0x5  }
0x14f: {  	[tilespmem:s0+$0xFFFFFFD0] =	vst v20;
	v20 =	vshll.u32 v21, $0x5;
	v19 =	vor.u32 v2, v19  }
0x150: {  	v63 =	vshll.u32 v22, $0x5;
	v20 =	vor.u32 v2, v20;
	[tilespmem:s0+$0x0] =	vst v19  }
0x151: {  	v19 =	vor.u32 v2, v63;
	[tilespmem:s0+$0xFFFFFFF0] =	vst v20  }
0x152: {  	[tilespmem:s0+$0xFFFFFFE0] =	vst v19;
	s0 =	simm.s32 $0x0  }
.LBB2_23:
0x153: {  	s1 =	sshra.s32 s0, $0x2  }
0x154: {  	v19 =	vld [tilespmem:s1+$0x15AC0];
	_ =	sdelay $0x1  }
0x155: {  	p0 =	sne.s32 s0, $0x40  }
.Ltmp10:
0x156: {  	_ = 	snop;
	(pc) =	sbr.rel @p0 .LBB2_23-.Ltmp10, $4  }
0x157: {  	_ = 	snop  }
0x158: {  	v19 =	vshll.u32 v19, $0x5  }
0x159: {  	v19 =	vor.u32 v2, v19  }
0x15a: {  	s0 =	sadd.s32 $0x40, s0;
	[tilespmem:s1+$0x15AC0] =	vst v19  }
0x15b: {  	[tilespmem:s17], [sflag:$0x6] =	stream.indirect.gather [hbm4b:s2+s8], $0x8, s25, s8, $0xb8;
	[tilespmem:$0x19000] =	vst v63  }
0x15c: {  	s1 =	simm.s32 $0x10;
	s5 =	simm.s32 $0x0  }
0x15d: {  	p0 =	seq.s32 s29, $0x31;
	_ =	swait.ge [sflag:s18], $0x1900;
	v19 =	vmov s1;
	v20 =	vmov s5  }
0x15e: {  	s0 =	sshrl.u32 @!p0 s31, $0x3;
	s10 =	simm.s32 @!p0 $0x320;
	s1 =	simm.s32 @!p0 $0x27100;
	v21 =	vshll.u32 v19, $0x3;
	v19 =	vshll.u32 v20, $0x3  }
0x15f: {  	s5 =	simm.s32 @!p0 $0x13880;
	[sflag:s18] =	ssyncset.done $0x0;
	s0 =	sadd.s32 @!p0 s4, s0;
	v20 =	vor.u32 v1, v21;
	v22 =	vor.u32 v6, v21;
	v23 =	vor.u32 v1, v19  }
0x160: {  	s31 =	simm.s32 $0x15190;
	[sflag:s18] =	ssyncadd.s32 $0xFFFFE700;
	s0 =	sadd.s32 @!p0 $0x190, s0;
	v24 =	vor.u32 v7, v19;
	v25 =	vor.u32 v10, v19;
	v26 =	vor.u32 v9, v19  }
0x161: {  	v29 =	vor.u32 v8, v19;
	v32 =	vor.u32 v9, v21;
	v34 =	vor.u32 v8, v21;
	[tilespmem:s5], [sflag:$0x1] =	stream.strided.gather @!p0 [hbm4b:s0+s10], $0x960, s1, s10, $0x38;
	[tilespmem:$0x19000] =	vst v63  }
0x162: {  	v36 =	vor.u32 v10, v21;
	v38 =	vor.u32 v5, v21;
	v27 =	vor.u32 v11, v23;
	v28 =	vld [tilespmem:s31+$0xFFFFFFF0]  }
0x163: {  	v23 =	vor.u32 v5, v19;
	v31 =	vor.u32 v11, v26;
	v20 =	vor.u32 v11, v20  }
0x164: {  	v26 =	vor.u32 v6, v19;
	v29 =	vor.u32 v11, v29;
	v24 =	vor.u32 v11, v24;
	v30 =	vld [tilespmem:s31+$0xFFFFF9C0]  }
0x165: {  	v19 =	vor.u32 v4, v19;
	v36 =	vor.u32 v11, v36;
	v32 =	vor.u32 v11, v32;
	v33 =	vld [tilespmem:s31+$0xFFFFF9B0]  }
0x166: {  	v38 =	vor.u32 v11, v38;
	v26 =	vor.u32 v11, v26;
	v23 =	vor.u32 v11, v23  }
0x167: {  	v35 =	vor.u32 v11, v19;
	v19 =	vperm.xlane v28, v12;
	v39 =	vperm.xlane v28, v14  }
0x168: {  	v42 =	vld.idx.msk [tilespmem:v20+s14+$0x0], $0xffff;
	v20 =	vor.u32 v7, v21;
	v41 =	vperm.xlane v28, v13;
	v46 =	vperm.xlane v28, v15  }
0x169: {  	v30 =	vshll.u32 v30, $0x3;
	v48 =	vperm.xlane v28, v16;
	v57 =	vperm.xlane v28, v18  }
0x16a: {  	v29 =	vld.idx.msk [tilespmem:v29+s14+$0x0], $0xffff;
	v33 =	vshll.u32 v33, $0x3;
	v37 =	vperm.xlane v30, v14;
	v40 =	vperm.xlane v30, v17  }
0x16b: {  	v47 =	vld.idx.msk [tilespmem:v24+s14+$0x0], $0xffff;
	v24 =	vor.u32 v11, v34;
	v43 =	vperm.xlane v30, v0;
	v45 =	vperm.xlane v33, v13  }
0x16c: {  	v60 =	vld.idx.msk [tilespmem:v32+s14+$0x0], $0xffff;
	v44 =	vor.u32 v11, v20;
	v34 =	vperm.xlane v33, v12;
	v20 =	vperm.xlane v30, v12  }
0x16d: {  	v58 =	vor.u32 v11, v25;
	v35 =	vld.idx.msk [tilespmem:v35+s14+$0x0], $0xffff;
	v49 =	vperm.xlane v33, v16;
	v52 =	vperm.xlane v33, v0  }
0x16e: {  	v21 =	vor.u32 v4, v21;
	v50 =	vld.idx.msk [tilespmem:v26+s14+$0x0], $0xffff;
	v53 =	vperm.xlane v33, v18;
	v26 =	vperm.xlane v33, v14  }
0x16f: {  	v51 =	vor.u32 v11, v21;
	v55 =	vld.idx.msk [tilespmem:v23+s14+$0x0], $0xffff;
	v54 =	vperm.xlane v30, v13;
	v56 =	vperm.xlane v33, v17  }
0x170: {  	v23 =	vld.idx.msk [tilespmem:v36+s14+$0x0], $0xffff;
	v36 =	vor.u32 v11, v22;
	v59 =	vperm.xlane v33, v15;
	v33 =	vperm.xlane v30, v15  }
0x171: {  	v21 =	vld [tilespmem:s31+$0x0];
	v62 =	vperm.xlane v30, v16;
	v20 =	vadd.s32 v11, v20;
	v32 =	vadd.s32 v11, v26  }
0x172: {  	v63 =	vld.idx.msk [tilespmem:v38+s14+$0x0], $0xffff;
	v25 =	vadd.s32 v11, v54;
	v54 =	vperm.xlane v28, v0;
	v22 =	vadd.s32 v11, v37  }
0x173: {  	v45 =	vadd.s32 v11, v45;
	v49 =	vadd.s32 v11, v49;
	v29 =	vmul.f32 v29, v39;
	v39 =	vld.idx.msk [tilespmem:v31+s14+$0x0], $0xffff  }
0x174: {  	v38 =	vadd.s32 v11, v53;
	v34 =	vadd.s32 v11, v34;
	v46 =	vmul.f32 v47, v46;
	v44 =	vld.idx.msk [tilespmem:v44+s14+$0x0], $0xffff  }
0x175: {  	v47 =	vadd.s32 v11, v56;
	v26 =	vmul.f32 v35, v57;
	v57 =	vperm.xlane v30, v18;
	v35 =	vld.idx.msk [tilespmem:v24+s14+$0x0], $0xffff  }
0x176: {  	v37 =	vperm.xlane v21, v14;
	v61 =	vperm.xlane v21, v15;
	v24 =	vld.idx.msk [tilespmem:v51+s14+$0x0], $0xffff;
	v30 =	vadd.s32 v11, v33  }
0x177: {  	v48 =	vmul.f32 v50, v48;
	v33 =	vld.idx.msk [tilespmem:v58+s14+$0x0], $0xffff;
	v50 =	vadd.s32 v11, v59;
	v59 =	vperm.xlane v21, v17  }
0x178: {  	v31 =	vperm.xlane v21, v12;
	[tilespmem:v32+s3+$0x0] =	vst.idx.add.f32.msk $0xffff, v29;
	v29 =	vperm.xlane v28, v17  }
0x179: {  	v58 =	vperm.xlane v21, v0;
	v63 =	vmul.f32 v63, v59;
	v32 =	vadd.s32 v11, v43;
	v43 =	vld.idx.msk [tilespmem:v27+s14+$0x0], $0xffff  }
0x17a: {  	[tilespmem:v49+s3+$0x0] =	vst.idx.add.f32.msk $0xffff, v48;
	v29 =	vmul.f32 v55, v29;
	v55 =	vadd.s32 v11, v40  }
0x17b: {  	v28 =	vadd.s32 v11, v62;
	v39 =	vmul.f32 v39, v41;
	v27 =	vmul.f32 v35, v37;
	v37 =	vld.idx.msk [tilespmem:v36+s14+$0x0], $0xffff  }
0x17c: {  	v62 =	vperm.xlane v21, v13;
	v41 =	vperm.xlane v21, v16;
	[tilespmem:v50+s3+$0x0] =	vst.idx.add.f32.msk $0xffff, v46  }
0x17d: {  	v35 =	vadd.s32 v11, v52;
	v36 =	vmul.f32 v42, v58;
	[tilespmem:v45+s3+$0x0] =	vst.idx.add.f32.msk $0xffff, v39  }
0x17e: {  	v42 =	vmul.f32 v60, v62;
	v39 =	vmul.f32 v44, v61;
	[tilespmem:v47+s3+$0x0] =	vst.idx.add.f32.msk $0xffff, v29  }
0x17f: {  	s1 =	simm.s32 $0x0;
	s0 =	simm.s32 $0x30;
	s10 =	simm.s32 $0x151B0;
	v29 =	vadd.s32 v11, v57;
	v40 =	vmul.f32 v43, v54;
	[tilespmem:v55+s3+$0x0] =	vst.idx.add.f32.msk $0xffff, v63  }
.LBB2_25:
0x180: {  	s5 =	sadd.s32 $0xFFFFFFF0, s0;
	v43 =	vmov s0;
	s1 =	sadd.s32 $0x2, s1;
	v19 =	vmul.f32 v33, v19;
	[tilespmem:v38+s3+$0x0] =	vst.idx.add.f32.msk $0xffff, v26;
	v23 =	vmul.f32 v23, v31  }
0x181: {  	v26 =	vmov s5;
	v31 =	vshll.u32 v43, $0x3;
	p0 =	slt.u32 s1, $0x30;
	[tilespmem:v25+s3+$0x0] =	vst.idx.add.f32.msk $0xffff, v42;
	v25 =	vmul.f32 v37, v41  }
0x182: {  	v26 =	vshll.u32 v26, $0x3;
	v33 =	vor.u32 v1, v31;
	v37 =	vor.u32 v6, v31;
	[tilespmem:v35+s3+$0x0] =	vst.idx.add.f32.msk $0xffff, v40  }
0x183: {  	v35 =	vor.u32 v1, v26;
	v38 =	vor.u32 v7, v26;
	[tilespmem:v30+s3+$0x0] =	vst.idx.add.f32.msk $0xffff, v39  }
0x184: {  	v30 =	vor.u32 v5, v26;
	v35 =	vor.u32 v11, v35;
	[tilespmem:v32+s3+$0x0] =	vst.idx.add.f32.msk $0xffff, v36  }
0x185: {  	v21 =	vperm.xlane v21, v18;
	v39 =	vor.u32 v9, v26;
	v36 =	vor.u32 v10, v26;
	v32 =	vld [tilespmem:s10+$0xFFFFFFF0]  }
0x186: {  	v40 =	vor.u32 v8, v26;
	v41 =	vor.u32 v6, v26;
	v39 =	vor.u32 v11, v39;
	v42 =	vld [tilespmem:s10+$0xFFFFF9C0]  }
0x187: {  	v43 =	vor.u32 v9, v31;
	v40 =	vor.u32 v11, v40;
	[tilespmem:v20+s3+$0x0] =	vst.idx.add.f32.msk $0xffff, v23  }
0x188: {  	v20 =	vor.u32 v11, v38;
	v23 =	vor.u32 v11, v33;
	[tilespmem:v28+s3+$0x0] =	vst.idx.add.f32.msk $0xffff, v25  }
0x189: {  	v21 =	vmul.f32 v24, v21;
	v33 =	vor.u32 v8, v31;
	v28 =	vor.u32 v11, v41;
	v25 =	vld [tilespmem:s10+$0xFFFFF9B0]  }
0x18a: {  	v24 =	vor.u32 v11, v30;
	v26 =	vor.u32 v4, v26;
	[tilespmem:v34+s3+$0x0] =	vst.idx.add.f32.msk $0xffff, v19  }
0x18b: {  	v26 =	vor.u32 v11, v26;
	v34 =	vor.u32 v10, v31;
	v30 =	vshll.u32 v42, $0x3;
	[tilespmem:v22+s3+$0x0] =	vst.idx.add.f32.msk $0xffff, v27  }
0x18c: {  	v19 =	vperm.xlane v32, v12;
	v22 =	vor.u32 v11, v34;
	[tilespmem:v29+s3+$0x0] =	vst.idx.add.f32.msk $0xffff, v21  }
0x18d: {  	v27 =	vperm.xlane v30, v14;
	v29 =	vor.u32 v5, v31;
	v34 =	vld.idx.msk [tilespmem:v23+s14+$0x0], $0xffff  }
0x18e: {  	v38 =	vperm.xlane v32, v14;
	v21 =	vor.u32 v11, v43;
	v41 =	vperm.xlane v30, v17;
	v40 =	vld.idx.msk [tilespmem:v40+s14+$0x0], $0xffff  }
0x18f: {  	v42 =	vperm.xlane v32, v13;
	v44 =	vperm.xlane v30, v0;
	v43 =	vld.idx.msk [tilespmem:v20+s14+$0x0], $0xffff;
	v20 =	vor.u32 v7, v31  }
0x190: {  	v25 =	vshll.u32 v25, $0x3;
	v28 =	vld.idx.msk [tilespmem:v28+s14+$0x0], $0xffff;
	v45 =	vor.u32 v11, v20  }
0x191: {  	v47 =	vperm.xlane v32, v15;
	v46 =	vperm.xlane v25, v13;
	v48 =	vld.idx.msk [tilespmem:v24+s14+$0x0], $0xffff;
	v24 =	vor.u32 v11, v33  }
0x192: {  	v49 =	vperm.xlane v25, v12;
	v31 =	vor.u32 v4, v31;
	v20 =	vperm.xlane v30, v12;
	v26 =	vld.idx.msk [tilespmem:v26+s14+$0x0], $0xffff  }
0x193: {  	v50 =	vperm.xlane v32, v16;
	v51 =	vperm.xlane v25, v16;
	v31 =	vor.u32 v11, v31;
	v23 =	vld.idx.msk [tilespmem:v22+s14+$0x0], $0xffff  }
0x194: {  	v52 =	vperm.xlane v25, v0;
	v53 =	vperm.xlane v25, v18;
	v20 =	vadd.s32 v11, v20;
	v54 =	vld.idx.msk [tilespmem:v21+s14+$0x0], $0xffff  }
0x195: {  	v29 =	vor.u32 v11, v29;
	v33 =	vperm.xlane v30, v13;
	v22 =	vperm.xlane v25, v14;
	v21 =	vld [tilespmem:s10+$0x0]  }
0x196: {  	v37 =	vor.u32 v11, v37;
	v56 =	vperm.xlane v32, v18;
	v55 =	vperm.xlane v25, v17;
	v45 =	vld.idx.msk [tilespmem:v45+s14+$0x0], $0xffff  }
0x197: {  	v36 =	vor.u32 v11, v36;
	v57 =	vperm.xlane v25, v15;
	v25 =	vadd.s32 v11, v33;
	v58 =	vld.idx.msk [tilespmem:v24+s14+$0x0], $0xffff  }
0x198: {  	v59 =	vadd.s32 v11, v22;
	v26 =	vmul.f32 v26, v56;
	v56 =	vperm.xlane v30, v18  }
0x199: {  	v60 =	vperm.xlane v32, v0;
	v22 =	vadd.s32 v11, v27;
	v27 =	vperm.xlane v30, v15;
	v24 =	vld.idx.msk [tilespmem:v31+s14+$0x0], $0xffff  }
0x19a: {  	v38 =	vmul.f32 v40, v38;
	v39 =	vld.idx.msk [tilespmem:v39+s14+$0x0], $0xffff;
	v40 =	vperm.xlane v21, v14  }
0x19b: {  	v62 =	vperm.xlane v30, v16;
	v46 =	vadd.s32 v11, v46;
	v61 =	vperm.xlane v21, v15;
	v63 =	vld.idx.msk [tilespmem:v29+s14+$0x0], $0xffff  }
0x19c: {  	v43 =	vmul.f32 v43, v47;
	v31 =	vperm.xlane v21, v12;
	v29 =	vadd.s32 v11, v55;
	v33 =	vld.idx.msk [tilespmem:v36+s14+$0x0], $0xffff  }
0x19d: {  	v32 =	vperm.xlane v32, v17;
	v30 =	vadd.s32 v11, v27;
	[tilespmem:v59+s3+$0x0] =	vst.idx.add.f32.msk $0xffff, v38  }
0x19e: {  	v47 =	vadd.s32 v11, v51;
	v50 =	vmul.f32 v28, v50;
	v28 =	vadd.s32 v11, v62  }
0x19f: {  	v55 =	vadd.s32 v11, v57;
	v36 =	vmul.f32 v48, v32;
	v32 =	vadd.s32 v11, v44;
	v51 =	vld.idx.msk [tilespmem:v35+s14+$0x0], $0xffff  }
0x1a0: {  	v27 =	vmul.f32 v58, v40;
	v44 =	vadd.s32 v11, v41;
	v39 =	vmul.f32 v39, v42  }
0x1a1: {  	v35 =	vadd.s32 v11, v52;
	[tilespmem:v29+s3+$0x0] =	vst.idx.add.f32.msk $0xffff, v36;
	v36 =	vperm.xlane v21, v0  }
.Ltmp11:
0x1a2: {  	v40 =	vperm.xlane v21, v17;
	v38 =	vadd.s32 v11, v53;
	v29 =	vadd.s32 v11, v56;
	v37 =	vld.idx.msk [tilespmem:v37+s14+$0x0], $0xffff;
	(pc) =	sbr.rel @p0 .LBB2_25-.Ltmp11, $4  }
0x1a3: {  	v41 =	vperm.xlane v21, v13;
	[tilespmem:v46+s3+$0x0] =	vst.idx.add.f32.msk $0xffff, v39;
	v36 =	vmul.f32 v34, v36  }
0x1a4: {  	v34 =	vadd.s32 v11, v49;
	v46 =	vmul.f32 v63, v40;
	[tilespmem:v47+s3+$0x0] =	vst.idx.add.f32.msk $0xffff, v50  }
0x1a5: {  	v39 =	vmul.f32 v45, v61;
	v40 =	vmul.f32 v51, v60;
	[tilespmem:v55+s3+$0x0] =	vst.idx.add.f32.msk $0xffff, v43  }
0x1a6: {  	s0 =	sadd.s32 $0x20, s0;
	s10 =	sadd.s32 $0x20, s10;
	v42 =	vmul.f32 v54, v41;
	v41 =	vperm.xlane v21, v16;
	[tilespmem:v44+s3+$0x0] =	vst.idx.add.f32.msk $0xffff, v46  }
0x1a7: {  	_ =	sdelay $0x3  }
0x1a8: {  	[tilespmem:v38+s3+$0x0] =	vst.idx.add.f32.msk $0xffff, v26  }
0x1a9: {  	[tilespmem:v35+s3+$0x0] =	vst.idx.add.f32.msk $0xffff, v40  }
0x1aa: {  	[tilespmem:v30+s3+$0x0] =	vst.idx.add.f32.msk $0xffff, v39  }
0x1ab: {  	[tilespmem:v32+s3+$0x0] =	vst.idx.add.f32.msk $0xffff, v36  }
0x1ac: {  	v23 =	vmul.f32 v23, v31;
	[tilespmem:v22+s3+$0x0] =	vst.idx.add.f32.msk $0xffff, v27;
	p0 =	sne.s32 s29, $0x31  }
.Ltmp12:
0x1ad: {  	v19 =	vmul.f32 v33, v19;
	v21 =	vperm.xlane v21, v18;
	[tilespmem:v25+s3+$0x0] =	vst.idx.add.f32.msk $0xffff, v42;
	(pc) =	sbr.rel @p0 .LBB2_28-.Ltmp12, $4  }
0x1ae: {  	v63 =	vmul.f32 v37, v41;
	[tilespmem:v20+s3+$0x0] =	vst.idx.add.f32.msk $0xffff, v23  }
0x1af: {  	v20 =	vmul.f32 v24, v21;
	[tilespmem:v34+s3+$0x0] =	vst.idx.add.f32.msk $0xffff, v19  }
0x1b0: {  	[tilespmem:v28+s3+$0x0] =	vst.idx.add.f32.msk $0xffff, v63  }
0x1b1: {  	[tilespmem:v29+s3+$0x0] =	vst.idx.add.f32.msk $0xffff, v20  }
.Ltmp13:
0x1b2: {  	(pc) =	sbr.rel .LBB2_33-.Ltmp13, $4  }
0x1b3: {  	_ = 	snop  }
0x1b4: {  	_ =	swait.ge [sflag:s22], $0x1900  }
0x1b5: {  	[sflag:s22] =	ssyncset.done $0x0  }
0x1b6: {  	[sflag:s22] =	ssyncadd.s32 $0xFFFFE700  }
.LBB2_28:
0x1b7: {  	_ =	swait.ge [sflag:s12], $0x960  }
0x1b8: {  	[sflag:s12] =	ssyncset.done $0x0  }
0x1b9: {  	s1 =	simm.s32 $0x13BD0;
	[sflag:s12] =	ssyncadd.s32 $0xFFFFF6A0  }
0x1ba: {  	v19 =	vld [tilespmem:s1+$0xFFFFFFD0]  }
0x1bb: {  	v21 =	vld [tilespmem:s1+$0x0]  }
0x1bc: {  	v22 =	vld [tilespmem:s1+$0xFFFFFFF0]  }
0x1bd: {  	v23 =	vld [tilespmem:s1+$0xFFFFFFE0];
	_ =	sdelay $0x1  }
0x1be: {  	s0 =	simm.s32 $0x13C10;
	v19 =	vshll.u32 v19, $0x5  }
0x1bf: {  	v20 =	vld [tilespmem:s0+$0xFFFFFFD0];
	v21 =	vshll.u32 v21, $0x5;
	v24 =	vor.u32 v2, v19  }
0x1c0: {  	v22 =	vshll.u32 v22, $0x5;
	v19 =	vld [tilespmem:s0+$0x0];
	v63 =	vor.u32 v2, v21;
	[tilespmem:s1+$0xFFFFFFD0] =	vst v24  }
0x1c1: {  	v23 =	vshll.u32 v23, $0x5;
	v21 =	vld [tilespmem:s0+$0xFFFFFFF0];
	v25 =	vor.u32 v2, v22;
	[tilespmem:s1+$0x0] =	vst v63  }
0x1c2: {  	s10 =	simm.s32 $0x4;
	v22 =	vld [tilespmem:s0+$0xFFFFFFE0];
	v23 =	vor.u32 v2, v23;
	[tilespmem:s1+$0xFFFFFFF0] =	vst v25  }
.LBB2_29:
0x1c3: {  	s10 =	sadd.s32 $0x4, s10  }
0x1c4: {  	[tilespmem:s1+$0xFFFFFFE0] =	vst v23;
	s1 =	smov.u32 s0;
	p0 =	slt.u32 s10, $0x2C  }
.Ltmp14:
0x1c5: {  	s0 =	sadd.s32 $0x40, s0;
	v23 =	vshll.u32 v20, $0x5;
	(pc) =	sbr.rel @p0 .LBB2_29-.Ltmp14, $4  }
0x1c6: {  	v20 =	vld [tilespmem:s0+$0xFFFFFFD0];
	v23 =	vor.u32 v2, v23;
	v24 =	vshll.u32 v19, $0x5  }
0x1c7: {  	v19 =	vld [tilespmem:s0+$0x0];
	[tilespmem:s1+$0xFFFFFFD0] =	vst v23;
	v23 =	vshll.u32 v21, $0x5;
	v24 =	vor.u32 v2, v24  }
0x1c8: {  	v21 =	vld [tilespmem:s0+$0xFFFFFFF0];
	v25 =	vshll.u32 v22, $0x5;
	v26 =	vor.u32 v2, v23;
	[tilespmem:s1+$0x0] =	vst v24  }
0x1c9: {  	v22 =	vld [tilespmem:s0+$0xFFFFFFE0];
	v23 =	vor.u32 v2, v25;
	[tilespmem:s1+$0xFFFFFFF0] =	vst v26  }
0x1ca: {  	_ = 	snop  }
0x1cb: {  	v20 =	vshll.u32 v20, $0x5  }
0x1cc: {  	[tilespmem:s1+$0xFFFFFFE0] =	vst v23;
	v20 =	vor.u32 v2, v20;
	v19 =	vshll.u32 v19, $0x5  }
0x1cd: {  	[tilespmem:s0+$0xFFFFFFD0] =	vst v20;
	v20 =	vshll.u32 v21, $0x5;
	v19 =	vor.u32 v2, v19  }
0x1ce: {  	v63 =	vshll.u32 v22, $0x5;
	v20 =	vor.u32 v2, v20;
	[tilespmem:s0+$0x0] =	vst v19  }
0x1cf: {  	v19 =	vor.u32 v2, v63;
	[tilespmem:s0+$0xFFFFFFF0] =	vst v20  }
0x1d0: {  	[tilespmem:s0+$0xFFFFFFE0] =	vst v19;
	s0 =	simm.s32 $0x0  }
.LBB2_31:
0x1d1: {  	s1 =	sshra.s32 s0, $0x2  }
0x1d2: {  	v19 =	vld [tilespmem:s1+$0x13EA0];
	_ =	sdelay $0x1  }
0x1d3: {  	p0 =	sne.s32 s0, $0x40  }
.Ltmp15:
0x1d4: {  	_ = 	snop;
	(pc) =	sbr.rel @p0 .LBB2_31-.Ltmp15, $4  }
0x1d5: {  	_ = 	snop  }
0x1d6: {  	v19 =	vshll.u32 v19, $0x5  }
0x1d7: {  	v19 =	vor.u32 v2, v19  }
0x1d8: {  	s0 =	sadd.s32 $0x40, s0;
	[tilespmem:s1+$0x13EA0] =	vst v19  }
0x1d9: {  	[tilespmem:s14], [sflag:$0x5] =	stream.indirect.gather [hbm4b:s2+s8], $0x8, s13, s8, $0xb8;
	[tilespmem:$0x19000] =	vst v63  }
0x1da: {  	_ =	swait.ge [sflag:s22], $0x1900  }
0x1db: {  	[sflag:s22] =	ssyncset.done $0x0  }
0x1dc: {  	s0 =	sadd.s32 $0x1F4, s30;
	[sflag:s22] =	ssyncadd.s32 $0xFFFFE700  }
0x1dd: {  	[tilespmem:s11], [sflag:$0x2] =	stream.strided.gather [hbm4b:s0+s8], $0x960, s9, s8, $0x38;
	[tilespmem:$0x19000] =	vst v63  }
.LBB2_33:
0x1de: {  	s0 =	simm.s32 $0x10;
	s1 =	simm.s32 $0x0  }
0x1df: {  	v19 =	vmov s0;
	v20 =	vmov s1  }
0x1e0: {  	v21 =	vshll.u32 v19, $0x3;
	v19 =	vshll.u32 v20, $0x3  }
0x1e1: {  	s31 =	simm.s32 $0x15AF0;
	v20 =	vor.u32 v1, v21;
	v22 =	vor.u32 v6, v21;
	v23 =	vor.u32 v1, v19  }
0x1e2: {  	v28 =	vld [tilespmem:s31+$0xFFFFFFF0];
	v24 =	vor.u32 v7, v19;
	v25 =	vor.u32 v10, v19;
	v26 =	vor.u32 v9, v19  }
0x1e3: {  	v29 =	vor.u32 v8, v19;
	v32 =	vor.u32 v9, v21;
	v34 =	vor.u32 v8, v21  }
0x1e4: {  	v30 =	vld [tilespmem:s31+$0xFFFFF9C0];
	v36 =	vor.u32 v10, v21;
	v38 =	vor.u32 v5, v21;
	v27 =	vor.u32 v11, v23  }
0x1e5: {  	v23 =	vor.u32 v5, v19;
	v31 =	vor.u32 v11, v26;
	v26 =	vor.u32 v6, v19  }
0x1e6: {  	v33 =	vld [tilespmem:s31+$0xFFFFF9B0];
	v29 =	vor.u32 v11, v29;
	v20 =	vor.u32 v11, v20;
	v19 =	vor.u32 v4, v19  }
0x1e7: {  	v24 =	vor.u32 v11, v24;
	v35 =	vor.u32 v11, v19;
	v19 =	vperm.xlane v28, v12  }
0x1e8: {  	v32 =	vor.u32 v11, v32;
	v39 =	vperm.xlane v28, v14;
	v41 =	vperm.xlane v28, v13  }
0x1e9: {  	v30 =	vshll.u32 v30, $0x3;
	v46 =	vperm.xlane v28, v15;
	v48 =	vperm.xlane v28, v16  }
0x1ea: {  	v38 =	vor.u32 v11, v38;
	v57 =	vperm.xlane v28, v18;
	v37 =	vperm.xlane v30, v14  }
0x1eb: {  	v33 =	vshll.u32 v33, $0x3;
	v40 =	vperm.xlane v30, v17;
	v43 =	vperm.xlane v30, v0;
	v42 =	vld.idx.msk [tilespmem:v20+s17+$0x0], $0xffff  }
0x1ec: {  	v26 =	vor.u32 v11, v26;
	v45 =	vperm.xlane v33, v13;
	v49 =	vperm.xlane v33, v16;
	v29 =	vld.idx.msk [tilespmem:v29+s17+$0x0], $0xffff  }
0x1ed: {  	v36 =	vor.u32 v11, v36;
	v52 =	vperm.xlane v33, v0;
	v53 =	vperm.xlane v33, v18;
	v47 =	vld.idx.msk [tilespmem:v24+s17+$0x0], $0xffff  }
0x1ee: {  	v23 =	vor.u32 v11, v23;
	v54 =	vperm.xlane v30, v13;
	v56 =	vperm.xlane v33, v17;
	v60 =	vld.idx.msk [tilespmem:v32+s17+$0x0], $0xffff  }
0x1ef: {  	v58 =	vor.u32 v11, v25;
	v59 =	vperm.xlane v33, v15;
	v62 =	vperm.xlane v30, v16;
	v63 =	vld.idx.msk [tilespmem:v38+s17+$0x0], $0xffff  }
0x1f0: {  	v20 =	vor.u32 v7, v21;
	v24 =	vor.u32 v11, v34;
	v34 =	vperm.xlane v33, v12;
	v35 =	vld.idx.msk [tilespmem:v35+s17+$0x0], $0xffff  }
0x1f1: {  	v21 =	vor.u32 v4, v21;
	v25 =	vadd.s32 v11, v54;
	v44 =	vor.u32 v11, v20;
	v50 =	vld.idx.msk [tilespmem:v26+s17+$0x0], $0xffff  }
0x1f2: {  	v54 =	vperm.xlane v28, v0;
	v45 =	vadd.s32 v11, v45;
	v51 =	vor.u32 v11, v21;
	v21 =	vld [tilespmem:s31+$0x0]  }
0x1f3: {  	v49 =	vadd.s32 v11, v49;
	v38 =	vadd.s32 v11, v53;
	v26 =	vperm.xlane v33, v14;
	v55 =	vld.idx.msk [tilespmem:v23+s17+$0x0], $0xffff  }
0x1f4: {  	v20 =	vperm.xlane v30, v12;
	v23 =	vld.idx.msk [tilespmem:v36+s17+$0x0], $0xffff;
	v36 =	vor.u32 v11, v22;
	v33 =	vperm.xlane v30, v15  }
0x1f5: {  	v22 =	vadd.s32 v11, v37;
	v32 =	vadd.s32 v11, v26;
	v29 =	vmul.f32 v29, v39;
	v39 =	vld.idx.msk [tilespmem:v31+s17+$0x0], $0xffff  }
0x1f6: {  	v34 =	vadd.s32 v11, v34;
	v46 =	vmul.f32 v47, v46;
	v26 =	vmul.f32 v35, v57;
	v44 =	vld.idx.msk [tilespmem:v44+s17+$0x0], $0xffff  }
0x1f7: {  	v47 =	vadd.s32 v11, v56;
	v57 =	vperm.xlane v30, v18;
	v35 =	vld.idx.msk [tilespmem:v24+s17+$0x0], $0xffff;
	v37 =	vperm.xlane v21, v14  }
0x1f8: {  	v61 =	vperm.xlane v21, v15;
	v24 =	vld.idx.msk [tilespmem:v51+s17+$0x0], $0xffff;
	v31 =	vperm.xlane v21, v12;
	v30 =	vadd.s32 v11, v33  }
0x1f9: {  	v48 =	vmul.f32 v50, v48;
	v33 =	vld.idx.msk [tilespmem:v58+s17+$0x0], $0xffff;
	v50 =	vadd.s32 v11, v59;
	v58 =	vperm.xlane v21, v0  }
0x1fa: {  	v59 =	vperm.xlane v21, v17;
	[tilespmem:v32+s3+$0x0] =	vst.idx.add.f32.msk $0xffff, v29;
	v29 =	vperm.xlane v28, v17  }
0x1fb: {  	v28 =	vadd.s32 v11, v62;
	v32 =	vadd.s32 v11, v43;
	v43 =	vld.idx.msk [tilespmem:v27+s17+$0x0], $0xffff;
	v62 =	vperm.xlane v21, v13  }
0x1fc: {  	[tilespmem:v49+s3+$0x0] =	vst.idx.add.f32.msk $0xffff, v48;
	v29 =	vmul.f32 v55, v29;
	v55 =	vadd.s32 v11, v40  }
0x1fd: {  	v20 =	vadd.s32 v11, v20;
	v63 =	vmul.f32 v63, v59;
	v27 =	vmul.f32 v35, v37;
	v37 =	vld.idx.msk [tilespmem:v36+s17+$0x0], $0xffff  }
0x1fe: {  	v39 =	vmul.f32 v39, v41;
	v41 =	vperm.xlane v21, v16;
	[tilespmem:v50+s3+$0x0] =	vst.idx.add.f32.msk $0xffff, v46  }
0x1ff: {  	v35 =	vadd.s32 v11, v52;
	v36 =	vmul.f32 v42, v58;
	[tilespmem:v47+s3+$0x0] =	vst.idx.add.f32.msk $0xffff, v29  }
0x200: {  	v42 =	vmul.f32 v60, v62;
	v29 =	vadd.s32 v11, v57;
	[tilespmem:v45+s3+$0x0] =	vst.idx.add.f32.msk $0xffff, v39  }
0x201: {  	s10 =	simm.s32 $0x15B10;
	s1 =	simm.s32 $0x0;
	s0 =	simm.s32 $0x30;
	v39 =	vmul.f32 v44, v61;
	v40 =	vmul.f32 v43, v54;
	[tilespmem:v55+s3+$0x0] =	vst.idx.add.f32.msk $0xffff, v63  }
.LBB2_34:
0x202: {  	s5 =	sadd.s32 $0xFFFFFFF0, s0;
	v43 =	vmov s0;
	s1 =	sadd.s32 $0x2, s1;
	v19 =	vmul.f32 v33, v19;
	[tilespmem:v38+s3+$0x0] =	vst.idx.add.f32.msk $0xffff, v26;
	v23 =	vmul.f32 v23, v31  }
0x203: {  	v26 =	vmov s5;
	v31 =	vshll.u32 v43, $0x3;
	p0 =	slt.u32 s1, $0x30;
	[tilespmem:v25+s3+$0x0] =	vst.idx.add.f32.msk $0xffff, v42;
	v25 =	vmul.f32 v37, v41  }
0x204: {  	v26 =	vshll.u32 v26, $0x3;
	v33 =	vor.u32 v1, v31;
	v37 =	vor.u32 v6, v31;
	[tilespmem:v35+s3+$0x0] =	vst.idx.add.f32.msk $0xffff, v40  }
0x205: {  	v35 =	vor.u32 v1, v26;
	v38 =	vor.u32 v7, v26;
	[tilespmem:v30+s3+$0x0] =	vst.idx.add.f32.msk $0xffff, v39  }
0x206: {  	v30 =	vor.u32 v5, v26;
	v35 =	vor.u32 v11, v35;
	[tilespmem:v32+s3+$0x0] =	vst.idx.add.f32.msk $0xffff, v36  }
0x207: {  	v21 =	vperm.xlane v21, v18;
	v39 =	vor.u32 v9, v26;
	v36 =	vor.u32 v10, v26;
	v32 =	vld [tilespmem:s10+$0xFFFFFFF0]  }
0x208: {  	v40 =	vor.u32 v8, v26;
	v41 =	vor.u32 v6, v26;
	v39 =	vor.u32 v11, v39;
	v42 =	vld [tilespmem:s10+$0xFFFFF9C0]  }
0x209: {  	v43 =	vor.u32 v9, v31;
	v40 =	vor.u32 v11, v40;
	[tilespmem:v20+s3+$0x0] =	vst.idx.add.f32.msk $0xffff, v23  }
0x20a: {  	v20 =	vor.u32 v11, v38;
	v23 =	vor.u32 v11, v33;
	[tilespmem:v28+s3+$0x0] =	vst.idx.add.f32.msk $0xffff, v25  }
0x20b: {  	v21 =	vmul.f32 v24, v21;
	v33 =	vor.u32 v8, v31;
	v28 =	vor.u32 v11, v41;
	v25 =	vld [tilespmem:s10+$0xFFFFF9B0]  }
0x20c: {  	v24 =	vor.u32 v11, v30;
	v26 =	vor.u32 v4, v26;
	[tilespmem:v34+s3+$0x0] =	vst.idx.add.f32.msk $0xffff, v19  }
0x20d: {  	v26 =	vor.u32 v11, v26;
	v34 =	vor.u32 v10, v31;
	v30 =	vshll.u32 v42, $0x3;
	[tilespmem:v22+s3+$0x0] =	vst.idx.add.f32.msk $0xffff, v27  }
0x20e: {  	v19 =	vperm.xlane v32, v12;
	v22 =	vor.u32 v11, v34;
	[tilespmem:v29+s3+$0x0] =	vst.idx.add.f32.msk $0xffff, v21  }
0x20f: {  	v27 =	vperm.xlane v30, v14;
	v29 =	vor.u32 v5, v31;
	v34 =	vld.idx.msk [tilespmem:v23+s17+$0x0], $0xffff  }
0x210: {  	v38 =	vperm.xlane v32, v14;
	v21 =	vor.u32 v11, v43;
	v41 =	vperm.xlane v30, v17;
	v40 =	vld.idx.msk [tilespmem:v40+s17+$0x0], $0xffff  }
0x211: {  	v42 =	vperm.xlane v32, v13;
	v44 =	vperm.xlane v30, v0;
	v43 =	vld.idx.msk [tilespmem:v20+s17+$0x0], $0xffff;
	v20 =	vor.u32 v7, v31  }
0x212: {  	v25 =	vshll.u32 v25, $0x3;
	v28 =	vld.idx.msk [tilespmem:v28+s17+$0x0], $0xffff;
	v45 =	vor.u32 v11, v20  }
0x213: {  	v47 =	vperm.xlane v32, v15;
	v46 =	vperm.xlane v25, v13;
	v48 =	vld.idx.msk [tilespmem:v24+s17+$0x0], $0xffff;
	v24 =	vor.u32 v11, v33  }
0x214: {  	v49 =	vperm.xlane v25, v12;
	v31 =	vor.u32 v4, v31;
	v20 =	vperm.xlane v30, v12;
	v26 =	vld.idx.msk [tilespmem:v26+s17+$0x0], $0xffff  }
0x215: {  	v50 =	vperm.xlane v32, v16;
	v51 =	vperm.xlane v25, v16;
	v31 =	vor.u32 v11, v31;
	v23 =	vld.idx.msk [tilespmem:v22+s17+$0x0], $0xffff  }
0x216: {  	v52 =	vperm.xlane v25, v0;
	v53 =	vperm.xlane v25, v18;
	v20 =	vadd.s32 v11, v20;
	v54 =	vld.idx.msk [tilespmem:v21+s17+$0x0], $0xffff  }
0x217: {  	v29 =	vor.u32 v11, v29;
	v33 =	vperm.xlane v30, v13;
	v22 =	vperm.xlane v25, v14;
	v21 =	vld [tilespmem:s10+$0x0]  }
0x218: {  	v37 =	vor.u32 v11, v37;
	v56 =	vperm.xlane v32, v18;
	v55 =	vperm.xlane v25, v17;
	v45 =	vld.idx.msk [tilespmem:v45+s17+$0x0], $0xffff  }
0x219: {  	v36 =	vor.u32 v11, v36;
	v57 =	vperm.xlane v25, v15;
	v25 =	vadd.s32 v11, v33;
	v58 =	vld.idx.msk [tilespmem:v24+s17+$0x0], $0xffff  }
0x21a: {  	v59 =	vadd.s32 v11, v22;
	v26 =	vmul.f32 v26, v56;
	v56 =	vperm.xlane v30, v18  }
0x21b: {  	v60 =	vperm.xlane v32, v0;
	v22 =	vadd.s32 v11, v27;
	v27 =	vperm.xlane v30, v15;
	v24 =	vld.idx.msk [tilespmem:v31+s17+$0x0], $0xffff  }
0x21c: {  	v38 =	vmul.f32 v40, v38;
	v39 =	vld.idx.msk [tilespmem:v39+s17+$0x0], $0xffff;
	v40 =	vperm.xlane v21, v14  }
0x21d: {  	v62 =	vperm.xlane v30, v16;
	v46 =	vadd.s32 v11, v46;
	v61 =	vperm.xlane v21, v15;
	v63 =	vld.idx.msk [tilespmem:v29+s17+$0x0], $0xffff  }
0x21e: {  	v43 =	vmul.f32 v43, v47;
	v31 =	vperm.xlane v21, v12;
	v29 =	vadd.s32 v11, v55;
	v33 =	vld.idx.msk [tilespmem:v36+s17+$0x0], $0xffff  }
0x21f: {  	v32 =	vperm.xlane v32, v17;
	v30 =	vadd.s32 v11, v27;
	[tilespmem:v59+s3+$0x0] =	vst.idx.add.f32.msk $0xffff, v38  }
0x220: {  	v47 =	vadd.s32 v11, v51;
	v50 =	vmul.f32 v28, v50;
	v28 =	vadd.s32 v11, v62  }
0x221: {  	v55 =	vadd.s32 v11, v57;
	v36 =	vmul.f32 v48, v32;
	v32 =	vadd.s32 v11, v44;
	v51 =	vld.idx.msk [tilespmem:v35+s17+$0x0], $0xffff  }
0x222: {  	v27 =	vmul.f32 v58, v40;
	v44 =	vadd.s32 v11, v41;
	v39 =	vmul.f32 v39, v42  }
0x223: {  	v35 =	vadd.s32 v11, v52;
	[tilespmem:v29+s3+$0x0] =	vst.idx.add.f32.msk $0xffff, v36;
	v36 =	vperm.xlane v21, v0  }
.Ltmp16:
0x224: {  	v40 =	vperm.xlane v21, v17;
	v38 =	vadd.s32 v11, v53;
	v29 =	vadd.s32 v11, v56;
	v37 =	vld.idx.msk [tilespmem:v37+s17+$0x0], $0xffff;
	(pc) =	sbr.rel @p0 .LBB2_34-.Ltmp16, $4  }
0x225: {  	v41 =	vperm.xlane v21, v13;
	[tilespmem:v46+s3+$0x0] =	vst.idx.add.f32.msk $0xffff, v39;
	v36 =	vmul.f32 v34, v36  }
0x226: {  	v34 =	vadd.s32 v11, v49;
	v46 =	vmul.f32 v63, v40;
	[tilespmem:v47+s3+$0x0] =	vst.idx.add.f32.msk $0xffff, v50  }
0x227: {  	v39 =	vmul.f32 v45, v61;
	v40 =	vmul.f32 v51, v60;
	[tilespmem:v55+s3+$0x0] =	vst.idx.add.f32.msk $0xffff, v43  }
0x228: {  	s0 =	sadd.s32 $0x20, s0;
	s10 =	sadd.s32 $0x20, s10;
	v42 =	vmul.f32 v54, v41;
	v41 =	vperm.xlane v21, v16;
	[tilespmem:v44+s3+$0x0] =	vst.idx.add.f32.msk $0xffff, v46  }
0x229: {  	_ =	sdelay $0x3  }
0x22a: {  	[tilespmem:v38+s3+$0x0] =	vst.idx.add.f32.msk $0xffff, v26  }
0x22b: {  	[tilespmem:v35+s3+$0x0] =	vst.idx.add.f32.msk $0xffff, v40  }
0x22c: {  	[tilespmem:v30+s3+$0x0] =	vst.idx.add.f32.msk $0xffff, v39  }
0x22d: {  	[tilespmem:v32+s3+$0x0] =	vst.idx.add.f32.msk $0xffff, v36;
	s29 =	sadd.s32 $0x1, s29  }
0x22e: {  	v23 =	vmul.f32 v23, v31;
	[tilespmem:v22+s3+$0x0] =	vst.idx.add.f32.msk $0xffff, v27;
	p0 =	sne.s32 s29, $0x32  }
.Ltmp17:
0x22f: {  	v19 =	vmul.f32 v33, v19;
	v21 =	vperm.xlane v21, v18;
	[tilespmem:v25+s3+$0x0] =	vst.idx.add.f32.msk $0xffff, v42;
	(pc) =	sbr.rel @p0 .LBB2_8-.Ltmp17, $4  }
0x230: {  	v63 =	vmul.f32 v37, v41;
	[tilespmem:v20+s3+$0x0] =	vst.idx.add.f32.msk $0xffff, v23  }
0x231: {  	v20 =	vmul.f32 v24, v21;
	[tilespmem:v34+s3+$0x0] =	vst.idx.add.f32.msk $0xffff, v19  }
0x232: {  	[tilespmem:v28+s3+$0x0] =	vst.idx.add.f32.msk $0xffff, v63  }
0x233: {  	[tilespmem:v29+s3+$0x0] =	vst.idx.add.f32.msk $0xffff, v20  }
0x234: {  	s28 =	sadd.s32 $0x1, s28  }
0x235: {  	p0 =	sne.s32 s28, s7  }
.Ltmp18:
0x236: {  	_ = 	snop;
	(pc) =	sbr.rel @p0 .LBB2_1-.Ltmp18, $4  }
0x237: {  	[hbm4b:s6+s3] =	stream.linear.scatter [tilespmem:s3], [sflag:$0x7], $0x13880, $0x38;
	[tilespmem:$0x19000] =	vst v63  }
0x238: {  	_ =	swait.ge [sflag:s26], $0x13880  }
0x239: {  	[sflag:s26] =	ssyncset.done $0x0  }
0x23a: {  	[sflag:s26] =	ssyncadd.s32 $0xFFFEC780  }
0x23b: {  	_ =	sfence.sel $0x180000  }
0x23c: {  	[bflag:$0x0] =	sbarrier.arrive $0xFFFF  }
0x23d: {  	_ =	strace $0x90000047  }
0x23e: {  	s0 =	stileid.u32;
	[bflag:$0x2] =	sbarrier.arrive $0xFFFF  }
0x23f: {  	p0 =	sne.s32 s0, $0x0;
	s0 =	rddreg [dreg:$0x2]  }
0x240: {  	s0 =	sadd.s32 @!p0 $0x100000, s0  }
0x241: {  	[sflag:s0] =	ssyncadd.tile.s32 @!p0 $0x1;
	_ =	shalt  }
.Lfunc_end2:
_tile_overlayer_lowered:
.L_overlay_start_2:
0x242: {  	(tag) =	ssettag $0x2  }
0x243: {  	s0 =	rddreg [dreg:$0x0];
	s2 =	stileid.u32  }
0x244: {  	s1 =	rddreg [dreg:$0x1];
	p0 =	sne.s32 s2, $0x0  }
0x245: {  	s3 =	rddreg [dreg:$0x2];
	[bflag:$0x3] =	sbarrier.arrive $0xFFFF;
	s2 =	simm.s32 @!p0 $0x1C07  }
0x246: {  	[timem:s3], [sflag:s2] =	dma.local @!p0 [hbm:s0], s1  }
0x247: {  	s0 =	simm.s32 @!p0 $0x7  }
0x248: {  	_ =	swait.ge @!p0 [sflag:s0], s1  }
0x249: {  	s1 =	ssub.s32 @!p0 $0x0, s1;
	[sflag:s0] =	ssyncset.done @!p0 $0x0  }
0x24a: {  	[sflag:s0] =	ssyncadd.s32 @!p0 s1  }
0x24b: {  	[bflag:$0x3] =	sbarrier.arrive $0xFFFF  }
0x24c: {  	_ =	shalt  }

</sc_bundles>
